<compile_context>
chip_gen: v7x
topology: tpu7x:2x2x1
jax: 0.10.2.dev20260603
libtpu: 0.0.44.dev20260713+nightly
codegen_flags: <defaults>
</compile_context>

<pallas_src>
import functools

import jax
import jax.numpy as jnp
from jax import lax
from jax.experimental import pallas as pl
from jax.experimental.pallas import tpu as pltpu
from jax.experimental.pallas import tpu_sc as plsc

N = 10000
E = 320000
D = 128

NC = 2
NS = 16
NW = NC * NS
PER_W = E // NW
CH = 125
NCHUNK = PER_W // CH
NPH = 2
HCH = NCHUNK // NPH
NSLOT = 2
RPT = 624
TAIL = N - NS * RPT
TAIL_OFF = NS * RPT

_mesh = plsc.VectorSubcoreMesh(core_axis_name="c", subcore_axis_name="s")


@functools.partial(
    pl.kernel,
    out_type=jax.ShapeDtypeStruct((NC, N, D), jnp.float32),
    mesh=_mesh,
    scratch_types=[
        pltpu.VMEM((HCH, CH), jnp.int32),
        pltpu.VMEM((HCH, CH), jnp.int32),
        pltpu.VMEM((NSLOT * CH, D), jnp.float32),
        pltpu.VMEM_SHARED((N, D), jnp.float32),
        pltpu.SemaphoreType.DMA,
        pltpu.SemaphoreType.DMA,
    ],
)
def _sc_aggregate(m_hbm, src_hbm, dst_hbm, zero_hbm, part_hbm,
                  src_v, dst_v, rows_v, acc_sh, sem_g, sem_s):
    c = lax.axis_index("c")
    s = lax.axis_index("s")
    wid = c * NS + s
    pltpu.sync_copy(zero_hbm.at[pl.ds(s * RPT, RPT)],
                    acc_sh.at[pl.ds(s * RPT, RPT)])

    @pl.when(s == NS - 1)
    def _():
        pltpu.sync_copy(zero_hbm.at[pl.ds(TAIL_OFF, TAIL)],
                        acc_sh.at[pl.ds(TAIL_OFF, TAIL)])
    plsc.subcore_barrier()

    for ph in range(NPH):
        pltpu.sync_copy(src_hbm.at[wid, ph], src_v)
        pltpu.sync_copy(dst_hbm.at[wid, ph], dst_v)
        pltpu.async_copy(m_hbm.at[src_v.at[0]], rows_v.at[pl.ds(0, CH)],
                         sem_g)

        def body(j, carry):
            slot = lax.rem(j, NSLOT) * CH
            pltpu.make_async_copy(m_hbm.at[src_v.at[j]],
                                  rows_v.at[pl.ds(slot, CH)], sem_g).wait()

            @pl.when(j < HCH - 1)
            def _():
                nslot = lax.rem(j + 1, NSLOT) * CH

                @pl.when(j >= NSLOT - 1)
                def _():
                    pltpu.make_async_copy(
                        rows_v.at[pl.ds(nslot, CH)],
                        acc_sh.at[dst_v.at[j + 1 - NSLOT]], sem_s).wait()

                pltpu.async_copy(m_hbm.at[src_v.at[j + 1]],
                                 rows_v.at[pl.ds(nslot, CH)], sem_g)

            pltpu.async_copy(rows_v.at[pl.ds(slot, CH)],
                             acc_sh.at[dst_v.at[j]], sem_s, add=True)
            return carry

        lax.fori_loop(0, HCH, body, 0)
        for t in range(NSLOT):
            pj = HCH - NSLOT + t
            pltpu.make_async_copy(
                rows_v.at[pl.ds((pj % NSLOT) * CH, CH)],
                acc_sh.at[dst_v.at[pj]], sem_s).wait()
    plsc.subcore_barrier()
    pltpu.sync_copy(acc_sh.at[pl.ds(s * RPT, RPT)],
                    part_hbm.at[c, pl.ds(s * RPT, RPT)])

    @pl.when(s == NS - 1)
    def _():
        pltpu.sync_copy(acc_sh.at[pl.ds(TAIL_OFF, TAIL)],
                        part_hbm.at[c, pl.ds(TAIL_OFF, TAIL)])


_BLK = 5000


def _mm1_body(x_ref, w_ref, o_ref):
    o_ref[...] = jnp.dot(x_ref[...], w_ref[...],
                         preferred_element_type=jnp.float32)


def _mid_body(p_ref, b_ref, w_ref, o_ref):
    h = jnp.maximum(p_ref[0] + p_ref[1] + b_ref[...], 0.0)
    o_ref[...] = jnp.dot(h, w_ref[...], preferred_element_type=jnp.float32)


def _fin_body(p_ref, b_ref, o_ref):
    o_ref[...] = p_ref[0] + p_ref[1] + b_ref[...]


_mm1 = pl.pallas_call(
    _mm1_body,
    grid=(N // _BLK,),
    in_specs=[
        pl.BlockSpec((_BLK, D), lambda i: (i, 0)),
        pl.BlockSpec((D, D), lambda i: (0, 0)),
    ],
    out_specs=pl.BlockSpec((_BLK, D), lambda i: (i, 0)),
    out_shape=jax.ShapeDtypeStruct((N, D), jnp.float32),
)

_mid = pl.pallas_call(
    _mid_body,
    grid=(N // _BLK,),
    in_specs=[
        pl.BlockSpec((NC, _BLK, D), lambda i: (0, i, 0)),
        pl.BlockSpec((1, D), lambda i: (0, 0)),
        pl.BlockSpec((D, D), lambda i: (0, 0)),
    ],
    out_specs=pl.BlockSpec((_BLK, D), lambda i: (i, 0)),
    out_shape=jax.ShapeDtypeStruct((N, D), jnp.float32),
)

_fin = pl.pallas_call(
    _fin_body,
    grid=(N // _BLK,),
    in_specs=[
        pl.BlockSpec((NC, _BLK, D), lambda i: (0, i, 0)),
        pl.BlockSpec((1, D), lambda i: (0, 0)),
    ],
    out_specs=pl.BlockSpec((_BLK, D), lambda i: (i, 0)),
    out_shape=jax.ShapeDtypeStruct((N, D), jnp.float32),
)


def kernel(x, edge_index, W1, b1, W2, b2):
    src = edge_index[0].astype(jnp.int32).reshape(NW, NPH, HCH, CH)
    dst = edge_index[1].astype(jnp.int32).reshape(NW, NPH, HCH, CH)
    zeros = jnp.zeros((N, D), jnp.float32)
    b1r = b1.reshape(1, D)
    b2r = b2.reshape(1, D)

    m1 = _mm1(x, W1)
    p1 = _sc_aggregate(m1, src, dst, zeros)
    m2 = _mid(p1, b1r, W2)
    p2 = _sc_aggregate(m2, src, dst, zeros)
    return _fin(p2, b2r)

# --- scband reference (transcript-rebuilt; emitter-appended) ---
"""Pipeline reference for scband-gcn-91139206021467 (READ-ONLY COPY).

The authoritative reference and input builder live on the scoring server;
editing this copy changes nothing except your own understanding.
"""

import jax, jax.numpy as jnp
import numpy as np

N = 10000
E = 320000
D_IN = 128
D_HID = 128
D_OUT = 128


def setup_inputs(seed: int = 0) -> dict:
    key = jax.random.key(seed)
    k_x, k_e, k_w1, k_w2 = jax.random.split(key, 4)
    x = jax.random.normal(k_x, (N, D_IN), dtype=jnp.float32)
    edge_index = jax.random.randint(k_e, (2, E), 0, N, dtype=jnp.int64)
    # xavier-uniform with relu gain, matching nn.init.xavier_uniform_(gain=calculate_gain('relu'))
    gain = float(np.sqrt(2.0))
    bound1 = gain * float(np.sqrt(6.0 / (D_IN + D_HID)))
    W1 = jax.random.uniform(k_w1, (D_IN, D_HID), dtype=jnp.float32, minval=-bound1, maxval=bound1)
    b1 = jnp.zeros((D_HID,), dtype=jnp.float32)
    bound2 = gain * float(np.sqrt(6.0 / (D_HID + D_OUT)))
    W2 = jax.random.uniform(k_w2, (D_HID, D_OUT), dtype=jnp.float32, minval=-bound2, maxval=bound2)
    b2 = jnp.zeros((D_OUT,), dtype=jnp.float32)
    return {"x": x, "edge_index": edge_index, "W1": W1, "b1": b1, "W2": W2, "b2": b2}


def reference(x, edge_index, W1, b1, W2, b2):
    # GCN.forward in eval mode (dropout=0, input_dropout=0)
    src = edge_index[0]
    dst = edge_index[1]
    n = x.shape[0]
    # Layer 1: m = x @ W; m = spmm(adj, m); m += b
    m = x @ W1
    m = jax.ops.segment_sum(jnp.take(m, src, axis=0), dst, num_segments=n)
    m = m + b1
    # inter-layer ReLU (dropout is identity at p=0 / eval)
    h = jax.nn.relu(m)
    # Layer 2 (final, no activation)
    m2 = h @ W2
    m2 = jax.ops.segment_sum(jnp.take(m2, src, axis=0), dst, num_segments=n)
    m2 = m2 + b2
    return m2

if __name__ == "__main__":
    import jax
    _d = setup_inputs()
    print(jax.jit(kernel)(*tuple(_d.values())))

</pallas_src>

<mosaic_0001>
#map = affine_map<(d0, d1) -> (0, 0)>
#map1 = affine_map<(d0, d1) -> (0, 0, 0, 0)>
#map2 = affine_map<(d0, d1) -> (0, 0, 0)>
module attributes {stable_mosaic.version = 14 : i64} {
  func.func @_sc_aggregate(%arg0: i32, %arg1: i32, %arg2: memref<10000x128xf32, #tpu.memory_space<hbm>>, %arg3: memref<32x2x40x125xi32, #tpu.memory_space<hbm>>, %arg4: memref<32x2x40x125xi32, #tpu.memory_space<hbm>>, %arg5: memref<10000x128xf32, #tpu.memory_space<hbm>>, %arg6: memref<2x10000x128xf32, #tpu.memory_space<hbm>>, %arg7: memref<40x125xi32, #tpu.memory_space<vmem>>, %arg8: memref<40x125xi32, #tpu.memory_space<vmem>>, %arg9: memref<250x128xf32, #tpu.memory_space<vmem>>, %arg10: memref<10000x128xf32, #tpu.memory_space<vmem_shared>>, %arg11: memref<!tpu.dma_semaphore, #tpu.memory_space<semaphore_mem>>, %arg12: memref<!tpu.dma_semaphore, #tpu.memory_space<semaphore_mem>>) attributes {dimension_semantics = [#tpu.dimension_semantics<core_parallel>, #tpu.dimension_semantics<subcore_parallel>], iteration_bounds = array<i64: 2, 16>, scalar_prefetch = 0 : i64, scratch_operands = 6 : i64, tpu.core_type = #tpu.core_type<sc_vector_subcore>, window_params = [{transform_indices = #map}, {transform_indices = #map1}, {transform_indices = #map1}, {transform_indices = #map}, {transform_indices = #map2}]} {
    %mul3A = arith.constant 16 : i32
    %mul3A_0 = arith.muli %arg0, %mul3A : i32
    %add3A = arith.addi %mul3A_0, %arg1 : i32
    %mul3A_1 = arith.constant 624 : i32
    %mul3A_2 = arith.muli %arg1, %mul3A_1 : i32
    %mul3A_3 = arith.constant 624 : i32
    %mul3A_4 = arith.muli %arg1, %mul3A_3 : i32
    "tpu.region"() ({
      %run_scoped3A_89 = tpu.sem_alloc : memref<!tpu.dma_semaphore, #tpu.memory_space<semaphore_mem>>
      %dma_start3A_90 = arith.constant 0 : i32
      %dma_start3A_91 = tpu.memref_slice %arg10[%mul3A_4, %dma_start3A_90] : memref<10000x128xf32, #tpu.memory_space<vmem_shared>> -> memref<624x128xf32, #tpu.memory_space<vmem_shared>>
      %dma_start3A_92 = arith.constant 0 : i32
      %dma_start3A_93 = tpu.memref_slice %arg5[%mul3A_2, %dma_start3A_92] : memref<10000x128xf32, #tpu.memory_space<hbm>> -> memref<624x128xf32, #tpu.memory_space<hbm>>
      tpu.enqueue_dma source(%dma_start3A_93 : memref<624x128xf32, #tpu.memory_space<hbm>>) target(%dma_start3A_91 : memref<624x128xf32, #tpu.memory_space<vmem_shared>>) target_semaphore(%run_scoped3A_89 : memref<!tpu.dma_semaphore, #tpu.memory_space<semaphore_mem>>)
      %dma_wait3A_94 = arith.constant 0 : i32
      %dma_wait3A_95 = tpu.memref_slice %arg10[%mul3A_4, %dma_wait3A_94] : memref<10000x128xf32, #tpu.memory_space<vmem_shared>> -> memref<624x128xf32, #tpu.memory_space<vmem_shared>>
      %dma_wait3A_96 = arith.constant 0 : i32
      %dma_wait3A_97 = tpu.memref_slice %arg5[%mul3A_2, %dma_wait3A_96] : memref<10000x128xf32, #tpu.memory_space<hbm>> -> memref<624x128xf32, #tpu.memory_space<hbm>>
      tpu.wait_dma2 semaphore(%run_scoped3A_89 : memref<!tpu.dma_semaphore, #tpu.memory_space<semaphore_mem>>) src(%dma_wait3A_97 : memref<624x128xf32, #tpu.memory_space<hbm>>) dst(%dma_wait3A_95 : memref<624x128xf32, #tpu.memory_space<vmem_shared>>)
      tpu.yield
    }) : () -> ()
    %eq3A = arith.constant 15 : i32
    %eq3A_5 = arith.cmpi eq, %arg1, %eq3A : i32
    %convert_element_type3A = arith.extui %eq3A_5 : i1 to i32
    %cond3A = arith.constant 0 : i32
    %cond3A_6 = arith.cmpi ne, %convert_element_type3A, %cond3A : i32
    scf.if %cond3A_6 {
      "tpu.region"() ({
        %run_scoped3A_89 = tpu.sem_alloc : memref<!tpu.dma_semaphore, #tpu.memory_space<semaphore_mem>>
        %dma_start3A_90 = arith.constant 9984 : i32
        %dma_start3A_91 = arith.constant 0 : i32
        %dma_start3A_92 = tpu.memref_slice %arg10[%dma_start3A_90, %dma_start3A_91] : memref<10000x128xf32, #tpu.memory_space<vmem_shared>> -> memref<16x128xf32, #tpu.memory_space<vmem_shared>>
        %dma_start3A_93 = arith.constant 9984 : i32
        %dma_start3A_94 = arith.constant 0 : i32
        %dma_start3A_95 = tpu.memref_slice %arg5[%dma_start3A_93, %dma_start3A_94] : memref<10000x128xf32, #tpu.memory_space<hbm>> -> memref<16x128xf32, #tpu.memory_space<hbm>>
        tpu.enqueue_dma source(%dma_start3A_95 : memref<16x128xf32, #tpu.memory_space<hbm>>) target(%dma_start3A_92 : memref<16x128xf32, #tpu.memory_space<vmem_shared>>) target_semaphore(%run_scoped3A_89 : memref<!tpu.dma_semaphore, #tpu.memory_space<semaphore_mem>>)
        %dma_wait3A_96 = arith.constant 9984 : i32
        %dma_wait3A_97 = arith.constant 0 : i32
        %dma_wait3A_98 = tpu.memref_slice %arg10[%dma_wait3A_96, %dma_wait3A_97] : memref<10000x128xf32, #tpu.memory_space<vmem_shared>> -> memref<16x128xf32, #tpu.memory_space<vmem_shared>>
        %dma_wait3A_99 = arith.constant 9984 : i32
        %dma_wait3A_100 = arith.constant 0 : i32
        %dma_wait3A_101 = tpu.memref_slice %arg5[%dma_wait3A_99, %dma_wait3A_100] : memref<10000x128xf32, #tpu.memory_space<hbm>> -> memref<16x128xf32, #tpu.memory_space<hbm>>
        tpu.wait_dma2 semaphore(%run_scoped3A_89 : memref<!tpu.dma_semaphore, #tpu.memory_space<semaphore_mem>>) src(%dma_wait3A_101 : memref<16x128xf32, #tpu.memory_space<hbm>>) dst(%dma_wait3A_98 : memref<16x128xf32, #tpu.memory_space<vmem_shared>>)
        tpu.yield
      }) : () -> ()
    } else {
    }
    %barrier3A = arith.constant 0 : index
    tpu.barrier barrier_id(%barrier3A)
    %run_scoped3A = arith.constant 0 : i32
    "tpu.region"() ({
      %run_scoped3A_89 = tpu.sem_alloc : memref<!tpu.dma_semaphore, #tpu.memory_space<semaphore_mem>>
      %dma_start3A_90 = arith.constant 0 : i32
      %dma_start3A_91 = arith.constant 0 : i32
      %dma_start3A_92 = tpu.memref_slice %arg3[%add3A, %run_scoped3A, %dma_start3A_90, %dma_start3A_91] : memref<32x2x40x125xi32, #tpu.memory_space<hbm>> -> memref<1x1x40x125xi32, #tpu.memory_space<hbm>>
      %dma_start3A_93 = tpu.memref_squeeze %dma_start3A_92 : memref<1x1x40x125xi32, #tpu.memory_space<hbm>> -> memref<40x125xi32, #tpu.memory_space<hbm>>
      %dma_start3A_94 = arith.constant 0 : i32
      %dma_start3A_95 = arith.constant 0 : i32
      %dma_start3A_96 = tpu.memref_slice %arg3[%add3A, %run_scoped3A, %dma_start3A_94, %dma_start3A_95] : memref<32x2x40x125xi32, #tpu.memory_space<hbm>> -> memref<1x1x40x125xi32, #tpu.memory_space<hbm>>
      %dma_start3A_97 = tpu.memref_squeeze %dma_start3A_96 : memref<1x1x40x125xi32, #tpu.memory_space<hbm>> -> memref<40x125xi32, #tpu.memory_space<hbm>>
      tpu.enqueue_dma source(%dma_start3A_97 : memref<40x125xi32, #tpu.memory_space<hbm>>) target(%arg7 : memref<40x125xi32, #tpu.memory_space<vmem>>) target_semaphore(%run_scoped3A_89 : memref<!tpu.dma_semaphore, #tpu.memory_space<semaphore_mem>>)
      %dma_wait3A_98 = arith.constant 0 : i32
      %dma_wait3A_99 = arith.constant 0 : i32
      %dma_wait3A_100 = tpu.memref_slice %arg3[%add3A, %run_scoped3A, %dma_wait3A_98, %dma_wait3A_99] : memref<32x2x40x125xi32, #tpu.memory_space<hbm>> -> memref<1x1x40x125xi32, #tpu.memory_space<hbm>>
      %dma_wait3A_101 = tpu.memref_squeeze %dma_wait3A_100 : memref<1x1x40x125xi32, #tpu.memory_space<hbm>> -> memref<40x125xi32, #tpu.memory_space<hbm>>
      %dma_wait3A_102 = arith.constant 0 : i32
      %dma_wait3A_103 = arith.constant 0 : i32
      %dma_wait3A_104 = tpu.memref_slice %arg3[%add3A, %run_scoped3A, %dma_wait3A_102, %dma_wait3A_103] : memref<32x2x40x125xi32, #tpu.memory_space<hbm>> -> memref<1x1x40x125xi32, #tpu.memory_space<hbm>>
      %dma_wait3A_105 = tpu.memref_squeeze %dma_wait3A_104 : memref<1x1x40x125xi32, #tpu.memory_space<hbm>> -> memref<40x125xi32, #tpu.memory_space<hbm>>
      tpu.wait_dma2 semaphore(%run_scoped3A_89 : memref<!tpu.dma_semaphore, #tpu.memory_space<semaphore_mem>>) src(%dma_wait3A_105 : memref<40x125xi32, #tpu.memory_space<hbm>>) dst(%arg7 : memref<40x125xi32, #tpu.memory_space<vmem>>)
      tpu.yield
    }) : () -> ()
    %run_scoped3A_7 = arith.constant 0 : i32
    "tpu.region"() ({
      %run_scoped3A_89 = tpu.sem_alloc : memref<!tpu.dma_semaphore, #tpu.memory_space<semaphore_mem>>
      %dma_start3A_90 = arith.constant 0 : i32
      %dma_start3A_91 = arith.constant 0 : i32
      %dma_start3A_92 = tpu.memref_slice %arg4[%add3A, %run_scoped3A_7, %dma_start3A_90, %dma_start3A_91] : memref<32x2x40x125xi32, #tpu.memory_space<hbm>> -> memref<1x1x40x125xi32, #tpu.memory_space<hbm>>
      %dma_start3A_93 = tpu.memref_squeeze %dma_start3A_92 : memref<1x1x40x125xi32, #tpu.memory_space<hbm>> -> memref<40x125xi32, #tpu.memory_space<hbm>>
      %dma_start3A_94 = arith.constant 0 : i32
      %dma_start3A_95 = arith.constant 0 : i32
      %dma_start3A_96 = tpu.memref_slice %arg4[%add3A, %run_scoped3A_7, %dma_start3A_94, %dma_start3A_95] : memref<32x2x40x125xi32, #tpu.memory_space<hbm>> -> memref<1x1x40x125xi32, #tpu.memory_space<hbm>>
      %dma_start3A_97 = tpu.memref_squeeze %dma_start3A_96 : memref<1x1x40x125xi32, #tpu.memory_space<hbm>> -> memref<40x125xi32, #tpu.memory_space<hbm>>
      tpu.enqueue_dma source(%dma_start3A_97 : memref<40x125xi32, #tpu.memory_space<hbm>>) target(%arg8 : memref<40x125xi32, #tpu.memory_space<vmem>>) target_semaphore(%run_scoped3A_89 : memref<!tpu.dma_semaphore, #tpu.memory_space<semaphore_mem>>)
      %dma_wait3A_98 = arith.constant 0 : i32
      %dma_wait3A_99 = arith.constant 0 : i32
      %dma_wait3A_100 = tpu.memref_slice %arg4[%add3A, %run_scoped3A_7, %dma_wait3A_98, %dma_wait3A_99] : memref<32x2x40x125xi32, #tpu.memory_space<hbm>> -> memref<1x1x40x125xi32, #tpu.memory_space<hbm>>
      %dma_wait3A_101 = tpu.memref_squeeze %dma_wait3A_100 : memref<1x1x40x125xi32, #tpu.memory_space<hbm>> -> memref<40x125xi32, #tpu.memory_space<hbm>>
      %dma_wait3A_102 = arith.constant 0 : i32
      %dma_wait3A_103 = arith.constant 0 : i32
      %dma_wait3A_104 = tpu.memref_slice %arg4[%add3A, %run_scoped3A_7, %dma_wait3A_102, %dma_wait3A_103] : memref<32x2x40x125xi32, #tpu.memory_space<hbm>> -> memref<1x1x40x125xi32, #tpu.memory_space<hbm>>
      %dma_wait3A_105 = tpu.memref_squeeze %dma_wait3A_104 : memref<1x1x40x125xi32, #tpu.memory_space<hbm>> -> memref<40x125xi32, #tpu.memory_space<hbm>>
      tpu.wait_dma2 semaphore(%run_scoped3A_89 : memref<!tpu.dma_semaphore, #tpu.memory_space<semaphore_mem>>) src(%dma_wait3A_105 : memref<40x125xi32, #tpu.memory_space<hbm>>) dst(%arg8 : memref<40x125xi32, #tpu.memory_space<vmem>>)
      tpu.yield
    }) : () -> ()
    %dma_start3A = arith.constant 0 : i32
    %dma_start3A_8 = arith.constant 0 : i32
    %dma_start3A_9 = arith.constant 0 : i32
    %dma_start3A_10 = tpu.memref_slice %arg9[%dma_start3A_8, %dma_start3A_9] : memref<250x128xf32, #tpu.memory_space<vmem>> -> memref<125x128xf32, #tpu.memory_space<vmem>>
    %dma_start3A_11 = arith.constant 0 : i32
    %dma_start3A_12 = tpu.memref_slice %arg7[%dma_start3A, %dma_start3A_11] : memref<40x125xi32, #tpu.memory_space<vmem>> -> memref<1x125xi32, #tpu.memory_space<vmem>>
    %dma_start3A_13 = tpu.memref_squeeze %dma_start3A_12 : memref<1x125xi32, #tpu.memory_space<vmem>> -> memref<125xi32, #tpu.memory_space<vmem>>
    %dma_start3A_14 = arith.constant 0 : i32
    %dma_start3A_15 = arith.constant 0 : i32
    %dma_start3A_16 = tpu.memref_slice %arg2[%dma_start3A_14, %dma_start3A_15] : memref<10000x128xf32, #tpu.memory_space<hbm>> -> memref<10000x128xf32, #tpu.memory_space<hbm>>
    tpu.enqueue_indirect_dma source(%dma_start3A_16 : memref<10000x128xf32, #tpu.memory_space<hbm>>) target(%dma_start3A_10 : memref<125x128xf32, #tpu.memory_space<vmem>>) offsets(%dma_start3A_13 : memref<125xi32, #tpu.memory_space<vmem>>) semaphore(%arg11 : memref<!tpu.dma_semaphore, #tpu.memory_space<semaphore_mem>>)
    %scan3A = arith.constant 0 : i32
    %scan3A_17 = arith.constant 0 : i32
    %scan3A_18 = arith.constant 40 : i32
    %scan3A_19 = arith.addi %scan3A_17, %scan3A_18 : i32
    %scan3A_20 = arith.constant 1 : i32
    scf.for %scan3A_89 = %scan3A_17 to %scan3A_19 step %scan3A_20  : i32 {
      %rem3A = arith.constant 2 : i32
      %rem3A_90 = arith.remsi %scan3A_89, %rem3A : i32
      %mul3A_91 = arith.constant 125 : i32
      %mul3A_92 = arith.muli %rem3A_90, %mul3A_91 : i32
      %dma_wait3A_93 = arith.constant 0 : i32
      %dma_wait3A_94 = tpu.memref_slice %arg9[%mul3A_92, %dma_wait3A_93] : memref<250x128xf32, #tpu.memory_space<vmem>> -> memref<125x128xf32, #tpu.memory_space<vmem>>
      %dma_wait3A_95 = arith.constant 0 : i32
      %dma_wait3A_96 = tpu.memref_slice %arg7[%scan3A_89, %dma_wait3A_95] : memref<40x125xi32, #tpu.memory_space<vmem>> -> memref<1x125xi32, #tpu.memory_space<vmem>>
      %dma_wait3A_97 = tpu.memref_squeeze %dma_wait3A_96 : memref<1x125xi32, #tpu.memory_space<vmem>> -> memref<125xi32, #tpu.memory_space<vmem>>
      %dma_wait3A_98 = arith.constant 0 : i32
      %dma_wait3A_99 = arith.constant 0 : i32
      %dma_wait3A_100 = tpu.memref_slice %arg2[%dma_wait3A_98, %dma_wait3A_99] : memref<10000x128xf32, #tpu.memory_space<hbm>> -> memref<10000x128xf32, #tpu.memory_space<hbm>>
      tpu.wait_indirect_dma semaphore(%arg11 : memref<!tpu.dma_semaphore, #tpu.memory_space<semaphore_mem>>) src(%dma_wait3A_100 : memref<10000x128xf32, #tpu.memory_space<hbm>>) dst(%dma_wait3A_94 : memref<125x128xf32, #tpu.memory_space<vmem>>)
      %lt3A = arith.constant 39 : i32
      %lt3A_101 = arith.cmpi slt, %scan3A_89, %lt3A : i32
      %convert_element_type3A_102 = arith.extui %lt3A_101 : i1 to i32
      %cond3A_103 = arith.constant 0 : i32
      %cond3A_104 = arith.cmpi ne, %convert_element_type3A_102, %cond3A_103 : i32
      scf.if %cond3A_104 {
        %add3A_113 = arith.constant 1 : i32
        %add3A_114 = arith.addi %scan3A_89, %add3A_113 : i32
        %rem3A_115 = arith.constant 2 : i32
        %rem3A_116 = arith.remsi %add3A_114, %rem3A_115 : i32
        %mul3A_117 = arith.constant 125 : i32
        %mul3A_118 = arith.muli %rem3A_116, %mul3A_117 : i32
        %ge3A = arith.constant 1 : i32
        %ge3A_119 = arith.cmpi sge, %scan3A_89, %ge3A : i32
        %convert_element_type3A_120 = arith.extui %ge3A_119 : i1 to i32
        %cond3A_121 = arith.constant 0 : i32
        %cond3A_122 = arith.cmpi ne, %convert_element_type3A_120, %cond3A_121 : i32
        scf.if %cond3A_122 {
          %add3A_133 = arith.constant 1 : i32
          %add3A_134 = arith.addi %scan3A_89, %add3A_133 : i32
          %sub3A = arith.constant 2 : i32
          %sub3A_135 = arith.subi %add3A_134, %sub3A : i32
          %dma_wait3A_136 = arith.constant 0 : i32
          %dma_wait3A_137 = tpu.memref_slice %arg9[%mul3A_118, %dma_wait3A_136] : memref<250x128xf32, #tpu.memory_space<vmem>> -> memref<125x128xf32, #tpu.memory_space<vmem>>
          %dma_wait3A_138 = arith.constant 0 : i32
          %dma_wait3A_139 = tpu.memref_slice %arg8[%sub3A_135, %dma_wait3A_138] : memref<40x125xi32, #tpu.memory_space<vmem>> -> memref<1x125xi32, #tpu.memory_space<vmem>>
          %dma_wait3A_140 = tpu.memref_squeeze %dma_wait3A_139 : memref<1x125xi32, #tpu.memory_space<vmem>> -> memref<125xi32, #tpu.memory_space<vmem>>
          %dma_wait3A_141 = arith.constant 0 : i32
          %dma_wait3A_142 = arith.constant 0 : i32
          %dma_wait3A_143 = tpu.memref_slice %arg10[%dma_wait3A_141, %dma_wait3A_142] : memref<10000x128xf32, #tpu.memory_space<vmem_shared>> -> memref<10000x128xf32, #tpu.memory_space<vmem_shared>>
          tpu.wait_indirect_dma semaphore(%arg12 : memref<!tpu.dma_semaphore, #tpu.memory_space<semaphore_mem>>) src(%dma_wait3A_137 : memref<125x128xf32, #tpu.memory_space<vmem>>) dst(%dma_wait3A_143 : memref<10000x128xf32, #tpu.memory_space<vmem_shared>>)
        } else {
        }
        %add3A_123 = arith.constant 1 : i32
        %add3A_124 = arith.addi %scan3A_89, %add3A_123 : i32
        %dma_start3A_125 = arith.constant 0 : i32
        %dma_start3A_126 = tpu.memref_slice %arg9[%mul3A_118, %dma_start3A_125] : memref<250x128xf32, #tpu.memory_space<vmem>> -> memref<125x128xf32, #tpu.memory_space<vmem>>
        %dma_start3A_127 = arith.constant 0 : i32
        %dma_start3A_128 = tpu.memref_slice %arg7[%add3A_124, %dma_start3A_127] : memref<40x125xi32, #tpu.memory_space<vmem>> -> memref<1x125xi32, #tpu.memory_space<vmem>>
        %dma_start3A_129 = tpu.memref_squeeze %dma_start3A_128 : memref<1x125xi32, #tpu.memory_space<vmem>> -> memref<125xi32, #tpu.memory_space<vmem>>
        %dma_start3A_130 = arith.constant 0 : i32
        %dma_start3A_131 = arith.constant 0 : i32
        %dma_start3A_132 = tpu.memref_slice %arg2[%dma_start3A_130, %dma_start3A_131] : memref<10000x128xf32, #tpu.memory_space<hbm>> -> memref<10000x128xf32, #tpu.memory_space<hbm>>
        tpu.enqueue_indirect_dma source(%dma_start3A_132 : memref<10000x128xf32, #tpu.memory_space<hbm>>) target(%dma_start3A_126 : memref<125x128xf32, #tpu.memory_space<vmem>>) offsets(%dma_start3A_129 : memref<125xi32, #tpu.memory_space<vmem>>) semaphore(%arg11 : memref<!tpu.dma_semaphore, #tpu.memory_space<semaphore_mem>>)
      } else {
      }
      %dma_start3A_105 = arith.constant 0 : i32
      %dma_start3A_106 = tpu.memref_slice %arg9[%mul3A_92, %dma_start3A_105] : memref<250x128xf32, #tpu.memory_space<vmem>> -> memref<125x128xf32, #tpu.memory_space<vmem>>
      %dma_start3A_107 = arith.constant 0 : i32
      %dma_start3A_108 = tpu.memref_slice %arg8[%scan3A_89, %dma_start3A_107] : memref<40x125xi32, #tpu.memory_space<vmem>> -> memref<1x125xi32, #tpu.memory_space<vmem>>
      %dma_start3A_109 = tpu.memref_squeeze %dma_start3A_108 : memref<1x125xi32, #tpu.memory_space<vmem>> -> memref<125xi32, #tpu.memory_space<vmem>>
      %dma_start3A_110 = arith.constant 0 : i32
      %dma_start3A_111 = arith.constant 0 : i32
      %dma_start3A_112 = tpu.memref_slice %arg10[%dma_start3A_110, %dma_start3A_111] : memref<10000x128xf32, #tpu.memory_space<vmem_shared>> -> memref<10000x128xf32, #tpu.memory_space<vmem_shared>>
      tpu.enqueue_indirect_dma source(%dma_start3A_106 : memref<125x128xf32, #tpu.memory_space<vmem>>) target(%dma_start3A_112 : memref<10000x128xf32, #tpu.memory_space<vmem_shared>>) offsets(%dma_start3A_109 : memref<125xi32, #tpu.memory_space<vmem>>) semaphore(%arg12 : memref<!tpu.dma_semaphore, #tpu.memory_space<semaphore_mem>>) {add = true}
    }
    %scan3A_21 = arith.constant 40 : i32
    %dma_wait3A = arith.constant 38 : i32
    %dma_wait3A_22 = arith.constant 0 : i32
    %dma_wait3A_23 = arith.constant 0 : i32
    %dma_wait3A_24 = tpu.memref_slice %arg9[%dma_wait3A_22, %dma_wait3A_23] : memref<250x128xf32, #tpu.memory_space<vmem>> -> memref<125x128xf32, #tpu.memory_space<vmem>>
    %dma_wait3A_25 = arith.constant 0 : i32
    %dma_wait3A_26 = tpu.memref_slice %arg8[%dma_wait3A, %dma_wait3A_25] : memref<40x125xi32, #tpu.memory_space<vmem>> -> memref<1x125xi32, #tpu.memory_space<vmem>>
    %dma_wait3A_27 = tpu.memref_squeeze %dma_wait3A_26 : memref<1x125xi32, #tpu.memory_space<vmem>> -> memref<125xi32, #tpu.memory_space<vmem>>
    %dma_wait3A_28 = arith.constant 0 : i32
    %dma_wait3A_29 = arith.constant 0 : i32
    %dma_wait3A_30 = tpu.memref_slice %arg10[%dma_wait3A_28, %dma_wait3A_29] : memref<10000x128xf32, #tpu.memory_space<vmem_shared>> -> memref<10000x128xf32, #tpu.memory_space<vmem_shared>>
    tpu.wait_indirect_dma semaphore(%arg12 : memref<!tpu.dma_semaphore, #tpu.memory_space<semaphore_mem>>) src(%dma_wait3A_24 : memref<125x128xf32, #tpu.memory_space<vmem>>) dst(%dma_wait3A_30 : memref<10000x128xf32, #tpu.memory_space<vmem_shared>>)
    %dma_wait3A_31 = arith.constant 39 : i32
    %dma_wait3A_32 = arith.constant 125 : i32
    %dma_wait3A_33 = arith.constant 0 : i32
    %dma_wait3A_34 = tpu.memref_slice %arg9[%dma_wait3A_32, %dma_wait3A_33] : memref<250x128xf32, #tpu.memory_space<vmem>> -> memref<125x128xf32, #tpu.memory_space<vmem>>
    %dma_wait3A_35 = arith.constant 0 : i32
    %dma_wait3A_36 = tpu.memref_slice %arg8[%dma_wait3A_31, %dma_wait3A_35] : memref<40x125xi32, #tpu.memory_space<vmem>> -> memref<1x125xi32, #tpu.memory_space<vmem>>
    %dma_wait3A_37 = tpu.memref_squeeze %dma_wait3A_36 : memref<1x125xi32, #tpu.memory_space<vmem>> -> memref<125xi32, #tpu.memory_space<vmem>>
    %dma_wait3A_38 = arith.constant 0 : i32
    %dma_wait3A_39 = arith.constant 0 : i32
    %dma_wait3A_40 = tpu.memref_slice %arg10[%dma_wait3A_38, %dma_wait3A_39] : memref<10000x128xf32, #tpu.memory_space<vmem_shared>> -> memref<10000x128xf32, #tpu.memory_space<vmem_shared>>
    tpu.wait_indirect_dma semaphore(%arg12 : memref<!tpu.dma_semaphore, #tpu.memory_space<semaphore_mem>>) src(%dma_wait3A_34 : memref<125x128xf32, #tpu.memory_space<vmem>>) dst(%dma_wait3A_40 : memref<10000x128xf32, #tpu.memory_space<vmem_shared>>)
    %run_scoped3A_41 = arith.constant 1 : i32
    "tpu.region"() ({
      %run_scoped3A_89 = tpu.sem_alloc : memref<!tpu.dma_semaphore, #tpu.memory_space<semaphore_mem>>
      %dma_start3A_90 = arith.constant 0 : i32
      %dma_start3A_91 = arith.constant 0 : i32
      %dma_start3A_92 = tpu.memref_slice %arg3[%add3A, %run_scoped3A_41, %dma_start3A_90, %dma_start3A_91] : memref<32x2x40x125xi32, #tpu.memory_space<hbm>> -> memref<1x1x40x125xi32, #tpu.memory_space<hbm>>
      %dma_start3A_93 = tpu.memref_squeeze %dma_start3A_92 : memref<1x1x40x125xi32, #tpu.memory_space<hbm>> -> memref<40x125xi32, #tpu.memory_space<hbm>>
      %dma_start3A_94 = arith.constant 0 : i32
      %dma_start3A_95 = arith.constant 0 : i32
      %dma_start3A_96 = tpu.memref_slice %arg3[%add3A, %run_scoped3A_41, %dma_start3A_94, %dma_start3A_95] : memref<32x2x40x125xi32, #tpu.memory_space<hbm>> -> memref<1x1x40x125xi32, #tpu.memory_space<hbm>>
      %dma_start3A_97 = tpu.memref_squeeze %dma_start3A_96 : memref<1x1x40x125xi32, #tpu.memory_space<hbm>> -> memref<40x125xi32, #tpu.memory_space<hbm>>
      tpu.enqueue_dma source(%dma_start3A_97 : memref<40x125xi32, #tpu.memory_space<hbm>>) target(%arg7 : memref<40x125xi32, #tpu.memory_space<vmem>>) target_semaphore(%run_scoped3A_89 : memref<!tpu.dma_semaphore, #tpu.memory_space<semaphore_mem>>)
      %dma_wait3A_98 = arith.constant 0 : i32
      %dma_wait3A_99 = arith.constant 0 : i32
      %dma_wait3A_100 = tpu.memref_slice %arg3[%add3A, %run_scoped3A_41, %dma_wait3A_98, %dma_wait3A_99] : memref<32x2x40x125xi32, #tpu.memory_space<hbm>> -> memref<1x1x40x125xi32, #tpu.memory_space<hbm>>
      %dma_wait3A_101 = tpu.memref_squeeze %dma_wait3A_100 : memref<1x1x40x125xi32, #tpu.memory_space<hbm>> -> memref<40x125xi32, #tpu.memory_space<hbm>>
      %dma_wait3A_102 = arith.constant 0 : i32
      %dma_wait3A_103 = arith.constant 0 : i32
      %dma_wait3A_104 = tpu.memref_slice %arg3[%add3A, %run_scoped3A_41, %dma_wait3A_102, %dma_wait3A_103] : memref<32x2x40x125xi32, #tpu.memory_space<hbm>> -> memref<1x1x40x125xi32, #tpu.memory_space<hbm>>
      %dma_wait3A_105 = tpu.memref_squeeze %dma_wait3A_104 : memref<1x1x40x125xi32, #tpu.memory_space<hbm>> -> memref<40x125xi32, #tpu.memory_space<hbm>>
      tpu.wait_dma2 semaphore(%run_scoped3A_89 : memref<!tpu.dma_semaphore, #tpu.memory_space<semaphore_mem>>) src(%dma_wait3A_105 : memref<40x125xi32, #tpu.memory_space<hbm>>) dst(%arg7 : memref<40x125xi32, #tpu.memory_space<vmem>>)
      tpu.yield
    }) : () -> ()
    %run_scoped3A_42 = arith.constant 1 : i32
    "tpu.region"() ({
      %run_scoped3A_89 = tpu.sem_alloc : memref<!tpu.dma_semaphore, #tpu.memory_space<semaphore_mem>>
      %dma_start3A_90 = arith.constant 0 : i32
      %dma_start3A_91 = arith.constant 0 : i32
      %dma_start3A_92 = tpu.memref_slice %arg4[%add3A, %run_scoped3A_42, %dma_start3A_90, %dma_start3A_91] : memref<32x2x40x125xi32, #tpu.memory_space<hbm>> -> memref<1x1x40x125xi32, #tpu.memory_space<hbm>>
      %dma_start3A_93 = tpu.memref_squeeze %dma_start3A_92 : memref<1x1x40x125xi32, #tpu.memory_space<hbm>> -> memref<40x125xi32, #tpu.memory_space<hbm>>
      %dma_start3A_94 = arith.constant 0 : i32
      %dma_start3A_95 = arith.constant 0 : i32
      %dma_start3A_96 = tpu.memref_slice %arg4[%add3A, %run_scoped3A_42, %dma_start3A_94, %dma_start3A_95] : memref<32x2x40x125xi32, #tpu.memory_space<hbm>> -> memref<1x1x40x125xi32, #tpu.memory_space<hbm>>
      %dma_start3A_97 = tpu.memref_squeeze %dma_start3A_96 : memref<1x1x40x125xi32, #tpu.memory_space<hbm>> -> memref<40x125xi32, #tpu.memory_space<hbm>>
      tpu.enqueue_dma source(%dma_start3A_97 : memref<40x125xi32, #tpu.memory_space<hbm>>) target(%arg8 : memref<40x125xi32, #tpu.memory_space<vmem>>) target_semaphore(%run_scoped3A_89 : memref<!tpu.dma_semaphore, #tpu.memory_space<semaphore_mem>>)
      %dma_wait3A_98 = arith.constant 0 : i32
      %dma_wait3A_99 = arith.constant 0 : i32
      %dma_wait3A_100 = tpu.memref_slice %arg4[%add3A, %run_scoped3A_42, %dma_wait3A_98, %dma_wait3A_99] : memref<32x2x40x125xi32, #tpu.memory_space<hbm>> -> memref<1x1x40x125xi32, #tpu.memory_space<hbm>>
      %dma_wait3A_101 = tpu.memref_squeeze %dma_wait3A_100 : memref<1x1x40x125xi32, #tpu.memory_space<hbm>> -> memref<40x125xi32, #tpu.memory_space<hbm>>
      %dma_wait3A_102 = arith.constant 0 : i32
      %dma_wait3A_103 = arith.constant 0 : i32
      %dma_wait3A_104 = tpu.memref_slice %arg4[%add3A, %run_scoped3A_42, %dma_wait3A_102, %dma_wait3A_103] : memref<32x2x40x125xi32, #tpu.memory_space<hbm>> -> memref<1x1x40x125xi32, #tpu.memory_space<hbm>>
      %dma_wait3A_105 = tpu.memref_squeeze %dma_wait3A_104 : memref<1x1x40x125xi32, #tpu.memory_space<hbm>> -> memref<40x125xi32, #tpu.memory_space<hbm>>
      tpu.wait_dma2 semaphore(%run_scoped3A_89 : memref<!tpu.dma_semaphore, #tpu.memory_space<semaphore_mem>>) src(%dma_wait3A_105 : memref<40x125xi32, #tpu.memory_space<hbm>>) dst(%arg8 : memref<40x125xi32, #tpu.memory_space<vmem>>)
      tpu.yield
    }) : () -> ()
    %dma_start3A_43 = arith.constant 0 : i32
    %dma_start3A_44 = arith.constant 0 : i32
    %dma_start3A_45 = arith.constant 0 : i32
    %dma_start3A_46 = tpu.memref_slice %arg9[%dma_start3A_44, %dma_start3A_45] : memref<250x128xf32, #tpu.memory_space<vmem>> -> memref<125x128xf32, #tpu.memory_space<vmem>>
    %dma_start3A_47 = arith.constant 0 : i32
    %dma_start3A_48 = tpu.memref_slice %arg7[%dma_start3A_43, %dma_start3A_47] : memref<40x125xi32, #tpu.memory_space<vmem>> -> memref<1x125xi32, #tpu.memory_space<vmem>>
    %dma_start3A_49 = tpu.memref_squeeze %dma_start3A_48 : memref<1x125xi32, #tpu.memory_space<vmem>> -> memref<125xi32, #tpu.memory_space<vmem>>
    %dma_start3A_50 = arith.constant 0 : i32
    %dma_start3A_51 = arith.constant 0 : i32
    %dma_start3A_52 = tpu.memref_slice %arg2[%dma_start3A_50, %dma_start3A_51] : memref<10000x128xf32, #tpu.memory_space<hbm>> -> memref<10000x128xf32, #tpu.memory_space<hbm>>
    tpu.enqueue_indirect_dma source(%dma_start3A_52 : memref<10000x128xf32, #tpu.memory_space<hbm>>) target(%dma_start3A_46 : memref<125x128xf32, #tpu.memory_space<vmem>>) offsets(%dma_start3A_49 : memref<125xi32, #tpu.memory_space<vmem>>) semaphore(%arg11 : memref<!tpu.dma_semaphore, #tpu.memory_space<semaphore_mem>>)
    %scan3A_53 = arith.constant 0 : i32
    %scan3A_54 = arith.constant 0 : i32
    %scan3A_55 = arith.constant 40 : i32
    %scan3A_56 = arith.addi %scan3A_54, %scan3A_55 : i32
    %scan3A_57 = arith.constant 1 : i32
    scf.for %scan3A_89 = %scan3A_54 to %scan3A_56 step %scan3A_57  : i32 {
      %rem3A = arith.constant 2 : i32
      %rem3A_90 = arith.remsi %scan3A_89, %rem3A : i32
      %mul3A_91 = arith.constant 125 : i32
      %mul3A_92 = arith.muli %rem3A_90, %mul3A_91 : i32
      %dma_wait3A_93 = arith.constant 0 : i32
      %dma_wait3A_94 = tpu.memref_slice %arg9[%mul3A_92, %dma_wait3A_93] : memref<250x128xf32, #tpu.memory_space<vmem>> -> memref<125x128xf32, #tpu.memory_space<vmem>>
      %dma_wait3A_95 = arith.constant 0 : i32
      %dma_wait3A_96 = tpu.memref_slice %arg7[%scan3A_89, %dma_wait3A_95] : memref<40x125xi32, #tpu.memory_space<vmem>> -> memref<1x125xi32, #tpu.memory_space<vmem>>
      %dma_wait3A_97 = tpu.memref_squeeze %dma_wait3A_96 : memref<1x125xi32, #tpu.memory_space<vmem>> -> memref<125xi32, #tpu.memory_space<vmem>>
      %dma_wait3A_98 = arith.constant 0 : i32
      %dma_wait3A_99 = arith.constant 0 : i32
      %dma_wait3A_100 = tpu.memref_slice %arg2[%dma_wait3A_98, %dma_wait3A_99] : memref<10000x128xf32, #tpu.memory_space<hbm>> -> memref<10000x128xf32, #tpu.memory_space<hbm>>
      tpu.wait_indirect_dma semaphore(%arg11 : memref<!tpu.dma_semaphore, #tpu.memory_space<semaphore_mem>>) src(%dma_wait3A_100 : memref<10000x128xf32, #tpu.memory_space<hbm>>) dst(%dma_wait3A_94 : memref<125x128xf32, #tpu.memory_space<vmem>>)
      %lt3A = arith.constant 39 : i32
      %lt3A_101 = arith.cmpi slt, %scan3A_89, %lt3A : i32
      %convert_element_type3A_102 = arith.extui %lt3A_101 : i1 to i32
      %cond3A_103 = arith.constant 0 : i32
      %cond3A_104 = arith.cmpi ne, %convert_element_type3A_102, %cond3A_103 : i32
      scf.if %cond3A_104 {
        %add3A_113 = arith.constant 1 : i32
        %add3A_114 = arith.addi %scan3A_89, %add3A_113 : i32
        %rem3A_115 = arith.constant 2 : i32
        %rem3A_116 = arith.remsi %add3A_114, %rem3A_115 : i32
        %mul3A_117 = arith.constant 125 : i32
        %mul3A_118 = arith.muli %rem3A_116, %mul3A_117 : i32
        %ge3A = arith.constant 1 : i32
        %ge3A_119 = arith.cmpi sge, %scan3A_89, %ge3A : i32
        %convert_element_type3A_120 = arith.extui %ge3A_119 : i1 to i32
        %cond3A_121 = arith.constant 0 : i32
        %cond3A_122 = arith.cmpi ne, %convert_element_type3A_120, %cond3A_121 : i32
        scf.if %cond3A_122 {
          %add3A_133 = arith.constant 1 : i32
          %add3A_134 = arith.addi %scan3A_89, %add3A_133 : i32
          %sub3A = arith.constant 2 : i32
          %sub3A_135 = arith.subi %add3A_134, %sub3A : i32
          %dma_wait3A_136 = arith.constant 0 : i32
          %dma_wait3A_137 = tpu.memref_slice %arg9[%mul3A_118, %dma_wait3A_136] : memref<250x128xf32, #tpu.memory_space<vmem>> -> memref<125x128xf32, #tpu.memory_space<vmem>>
          %dma_wait3A_138 = arith.constant 0 : i32
          %dma_wait3A_139 = tpu.memref_slice %arg8[%sub3A_135, %dma_wait3A_138] : memref<40x125xi32, #tpu.memory_space<vmem>> -> memref<1x125xi32, #tpu.memory_space<vmem>>
          %dma_wait3A_140 = tpu.memref_squeeze %dma_wait3A_139 : memref<1x125xi32, #tpu.memory_space<vmem>> -> memref<125xi32, #tpu.memory_space<vmem>>
          %dma_wait3A_141 = arith.constant 0 : i32
          %dma_wait3A_142 = arith.constant 0 : i32
          %dma_wait3A_143 = tpu.memref_slice %arg10[%dma_wait3A_141, %dma_wait3A_142] : memref<10000x128xf32, #tpu.memory_space<vmem_shared>> -> memref<10000x128xf32, #tpu.memory_space<vmem_shared>>
          tpu.wait_indirect_dma semaphore(%arg12 : memref<!tpu.dma_semaphore, #tpu.memory_space<semaphore_mem>>) src(%dma_wait3A_137 : memref<125x128xf32, #tpu.memory_space<vmem>>) dst(%dma_wait3A_143 : memref<10000x128xf32, #tpu.memory_space<vmem_shared>>)
        } else {
        }
        %add3A_123 = arith.constant 1 : i32
        %add3A_124 = arith.addi %scan3A_89, %add3A_123 : i32
        %dma_start3A_125 = arith.constant 0 : i32
        %dma_start3A_126 = tpu.memref_slice %arg9[%mul3A_118, %dma_start3A_125] : memref<250x128xf32, #tpu.memory_space<vmem>> -> memref<125x128xf32, #tpu.memory_space<vmem>>
        %dma_start3A_127 = arith.constant 0 : i32
        %dma_start3A_128 = tpu.memref_slice %arg7[%add3A_124, %dma_start3A_127] : memref<40x125xi32, #tpu.memory_space<vmem>> -> memref<1x125xi32, #tpu.memory_space<vmem>>
        %dma_start3A_129 = tpu.memref_squeeze %dma_start3A_128 : memref<1x125xi32, #tpu.memory_space<vmem>> -> memref<125xi32, #tpu.memory_space<vmem>>
        %dma_start3A_130 = arith.constant 0 : i32
        %dma_start3A_131 = arith.constant 0 : i32
        %dma_start3A_132 = tpu.memref_slice %arg2[%dma_start3A_130, %dma_start3A_131] : memref<10000x128xf32, #tpu.memory_space<hbm>> -> memref<10000x128xf32, #tpu.memory_space<hbm>>
        tpu.enqueue_indirect_dma source(%dma_start3A_132 : memref<10000x128xf32, #tpu.memory_space<hbm>>) target(%dma_start3A_126 : memref<125x128xf32, #tpu.memory_space<vmem>>) offsets(%dma_start3A_129 : memref<125xi32, #tpu.memory_space<vmem>>) semaphore(%arg11 : memref<!tpu.dma_semaphore, #tpu.memory_space<semaphore_mem>>)
      } else {
      }
      %dma_start3A_105 = arith.constant 0 : i32
      %dma_start3A_106 = tpu.memref_slice %arg9[%mul3A_92, %dma_start3A_105] : memref<250x128xf32, #tpu.memory_space<vmem>> -> memref<125x128xf32, #tpu.memory_space<vmem>>
      %dma_start3A_107 = arith.constant 0 : i32
      %dma_start3A_108 = tpu.memref_slice %arg8[%scan3A_89, %dma_start3A_107] : memref<40x125xi32, #tpu.memory_space<vmem>> -> memref<1x125xi32, #tpu.memory_space<vmem>>
      %dma_start3A_109 = tpu.memref_squeeze %dma_start3A_108 : memref<1x125xi32, #tpu.memory_space<vmem>> -> memref<125xi32, #tpu.memory_space<vmem>>
      %dma_start3A_110 = arith.constant 0 : i32
      %dma_start3A_111 = arith.constant 0 : i32
      %dma_start3A_112 = tpu.memref_slice %arg10[%dma_start3A_110, %dma_start3A_111] : memref<10000x128xf32, #tpu.memory_space<vmem_shared>> -> memref<10000x128xf32, #tpu.memory_space<vmem_shared>>
      tpu.enqueue_indirect_dma source(%dma_start3A_106 : memref<125x128xf32, #tpu.memory_space<vmem>>) target(%dma_start3A_112 : memref<10000x128xf32, #tpu.memory_space<vmem_shared>>) offsets(%dma_start3A_109 : memref<125xi32, #tpu.memory_space<vmem>>) semaphore(%arg12 : memref<!tpu.dma_semaphore, #tpu.memory_space<semaphore_mem>>) {add = true}
    }
    %scan3A_58 = arith.constant 40 : i32
    %dma_wait3A_59 = arith.constant 38 : i32
    %dma_wait3A_60 = arith.constant 0 : i32
    %dma_wait3A_61 = arith.constant 0 : i32
    %dma_wait3A_62 = tpu.memref_slice %arg9[%dma_wait3A_60, %dma_wait3A_61] : memref<250x128xf32, #tpu.memory_space<vmem>> -> memref<125x128xf32, #tpu.memory_space<vmem>>
    %dma_wait3A_63 = arith.constant 0 : i32
    %dma_wait3A_64 = tpu.memref_slice %arg8[%dma_wait3A_59, %dma_wait3A_63] : memref<40x125xi32, #tpu.memory_space<vmem>> -> memref<1x125xi32, #tpu.memory_space<vmem>>
    %dma_wait3A_65 = tpu.memref_squeeze %dma_wait3A_64 : memref<1x125xi32, #tpu.memory_space<vmem>> -> memref<125xi32, #tpu.memory_space<vmem>>
    %dma_wait3A_66 = arith.constant 0 : i32
    %dma_wait3A_67 = arith.constant 0 : i32
    %dma_wait3A_68 = tpu.memref_slice %arg10[%dma_wait3A_66, %dma_wait3A_67] : memref<10000x128xf32, #tpu.memory_space<vmem_shared>> -> memref<10000x128xf32, #tpu.memory_space<vmem_shared>>
    tpu.wait_indirect_dma semaphore(%arg12 : memref<!tpu.dma_semaphore, #tpu.memory_space<semaphore_mem>>) src(%dma_wait3A_62 : memref<125x128xf32, #tpu.memory_space<vmem>>) dst(%dma_wait3A_68 : memref<10000x128xf32, #tpu.memory_space<vmem_shared>>)
    %dma_wait3A_69 = arith.constant 39 : i32
    %dma_wait3A_70 = arith.constant 125 : i32
    %dma_wait3A_71 = arith.constant 0 : i32
    %dma_wait3A_72 = tpu.memref_slice %arg9[%dma_wait3A_70, %dma_wait3A_71] : memref<250x128xf32, #tpu.memory_space<vmem>> -> memref<125x128xf32, #tpu.memory_space<vmem>>
    %dma_wait3A_73 = arith.constant 0 : i32
    %dma_wait3A_74 = tpu.memref_slice %arg8[%dma_wait3A_69, %dma_wait3A_73] : memref<40x125xi32, #tpu.memory_space<vmem>> -> memref<1x125xi32, #tpu.memory_space<vmem>>
    %dma_wait3A_75 = tpu.memref_squeeze %dma_wait3A_74 : memref<1x125xi32, #tpu.memory_space<vmem>> -> memref<125xi32, #tpu.memory_space<vmem>>
    %dma_wait3A_76 = arith.constant 0 : i32
    %dma_wait3A_77 = arith.constant 0 : i32
    %dma_wait3A_78 = tpu.memref_slice %arg10[%dma_wait3A_76, %dma_wait3A_77] : memref<10000x128xf32, #tpu.memory_space<vmem_shared>> -> memref<10000x128xf32, #tpu.memory_space<vmem_shared>>
    tpu.wait_indirect_dma semaphore(%arg12 : memref<!tpu.dma_semaphore, #tpu.memory_space<semaphore_mem>>) src(%dma_wait3A_72 : memref<125x128xf32, #tpu.memory_space<vmem>>) dst(%dma_wait3A_78 : memref<10000x128xf32, #tpu.memory_space<vmem_shared>>)
    %barrier3A_79 = arith.constant 0 : index
    tpu.barrier barrier_id(%barrier3A_79)
    %mul3A_80 = arith.constant 624 : i32
    %mul3A_81 = arith.muli %arg1, %mul3A_80 : i32
    %mul3A_82 = arith.constant 624 : i32
    %mul3A_83 = arith.muli %arg1, %mul3A_82 : i32
    "tpu.region"() ({
      %run_scoped3A_89 = tpu.sem_alloc : memref<!tpu.dma_semaphore, #tpu.memory_space<semaphore_mem>>
      %dma_start3A_90 = arith.constant 0 : i32
      %dma_start3A_91 = tpu.memref_slice %arg6[%arg0, %mul3A_83, %dma_start3A_90] : memref<2x10000x128xf32, #tpu.memory_space<hbm>> -> memref<1x624x128xf32, #tpu.memory_space<hbm>>
      %dma_start3A_92 = tpu.memref_squeeze %dma_start3A_91 : memref<1x624x128xf32, #tpu.memory_space<hbm>> -> memref<624x128xf32, #tpu.memory_space<hbm>>
      %dma_start3A_93 = arith.constant 0 : i32
      %dma_start3A_94 = tpu.memref_slice %arg10[%mul3A_81, %dma_start3A_93] : memref<10000x128xf32, #tpu.memory_space<vmem_shared>> -> memref<624x128xf32, #tpu.memory_space<vmem_shared>>
      tpu.enqueue_dma source(%dma_start3A_94 : memref<624x128xf32, #tpu.memory_space<vmem_shared>>) target(%dma_start3A_92 : memref<624x128xf32, #tpu.memory_space<hbm>>) target_semaphore(%run_scoped3A_89 : memref<!tpu.dma_semaphore, #tpu.memory_space<semaphore_mem>>)
      %dma_wait3A_95 = arith.constant 0 : i32
      %dma_wait3A_96 = tpu.memref_slice %arg6[%arg0, %mul3A_83, %dma_wait3A_95] : memref<2x10000x128xf32, #tpu.memory_space<hbm>> -> memref<1x624x128xf32, #tpu.memory_space<hbm>>
      %dma_wait3A_97 = tpu.memref_squeeze %dma_wait3A_96 : memref<1x624x128xf32, #tpu.memory_space<hbm>> -> memref<624x128xf32, #tpu.memory_space<hbm>>
      %dma_wait3A_98 = arith.constant 0 : i32
      %dma_wait3A_99 = tpu.memref_slice %arg10[%mul3A_81, %dma_wait3A_98] : memref<10000x128xf32, #tpu.memory_space<vmem_shared>> -> memref<624x128xf32, #tpu.memory_space<vmem_shared>>
      tpu.wait_dma2 semaphore(%run_scoped3A_89 : memref<!tpu.dma_semaphore, #tpu.memory_space<semaphore_mem>>) src(%dma_wait3A_99 : memref<624x128xf32, #tpu.memory_space<vmem_shared>>) dst(%dma_wait3A_97 : memref<624x128xf32, #tpu.memory_space<hbm>>)
      tpu.yield
    }) : () -> ()
    %eq3A_84 = arith.constant 15 : i32
    %eq3A_85 = arith.cmpi eq, %arg1, %eq3A_84 : i32
    %convert_element_type3A_86 = arith.extui %eq3A_85 : i1 to i32
    %cond3A_87 = arith.constant 0 : i32
    %cond3A_88 = arith.cmpi ne, %convert_element_type3A_86, %cond3A_87 : i32
    scf.if %cond3A_88 {
      "tpu.region"() ({
        %run_scoped3A_89 = tpu.sem_alloc : memref<!tpu.dma_semaphore, #tpu.memory_space<semaphore_mem>>
        %dma_start3A_90 = arith.constant 9984 : i32
        %dma_start3A_91 = arith.constant 0 : i32
        %dma_start3A_92 = tpu.memref_slice %arg6[%arg0, %dma_start3A_90, %dma_start3A_91] : memref<2x10000x128xf32, #tpu.memory_space<hbm>> -> memref<1x16x128xf32, #tpu.memory_space<hbm>>
        %dma_start3A_93 = tpu.memref_squeeze %dma_start3A_92 : memref<1x16x128xf32, #tpu.memory_space<hbm>> -> memref<16x128xf32, #tpu.memory_space<hbm>>
        %dma_start3A_94 = arith.constant 9984 : i32
        %dma_start3A_95 = arith.constant 0 : i32
        %dma_start3A_96 = tpu.memref_slice %arg10[%dma_start3A_94, %dma_start3A_95] : memref<10000x128xf32, #tpu.memory_space<vmem_shared>> -> memref<16x128xf32, #tpu.memory_space<vmem_shared>>
        tpu.enqueue_dma source(%dma_start3A_96 : memref<16x128xf32, #tpu.memory_space<vmem_shared>>) target(%dma_start3A_93 : memref<16x128xf32, #tpu.memory_space<hbm>>) target_semaphore(%run_scoped3A_89 : memref<!tpu.dma_semaphore, #tpu.memory_space<semaphore_mem>>)
        %dma_wait3A_97 = arith.constant 9984 : i32
        %dma_wait3A_98 = arith.constant 0 : i32
        %dma_wait3A_99 = tpu.memref_slice %arg6[%arg0, %dma_wait3A_97, %dma_wait3A_98] : memref<2x10000x128xf32, #tpu.memory_space<hbm>> -> memref<1x16x128xf32, #tpu.memory_space<hbm>>
        %dma_wait3A_100 = tpu.memref_squeeze %dma_wait3A_99 : memref<1x16x128xf32, #tpu.memory_space<hbm>> -> memref<16x128xf32, #tpu.memory_space<hbm>>
        %dma_wait3A_101 = arith.constant 9984 : i32
        %dma_wait3A_102 = arith.constant 0 : i32
        %dma_wait3A_103 = tpu.memref_slice %arg10[%dma_wait3A_101, %dma_wait3A_102] : memref<10000x128xf32, #tpu.memory_space<vmem_shared>> -> memref<16x128xf32, #tpu.memory_space<vmem_shared>>
        tpu.wait_dma2 semaphore(%run_scoped3A_89 : memref<!tpu.dma_semaphore, #tpu.memory_space<semaphore_mem>>) src(%dma_wait3A_103 : memref<16x128xf32, #tpu.memory_space<vmem_shared>>) dst(%dma_wait3A_100 : memref<16x128xf32, #tpu.memory_space<hbm>>)
        tpu.yield
      }) : () -> ()
    } else {
    }
    return
  }
}

#map = affine_map<(d0, d1) -> (0, 0)>
#map1 = affine_map<(d0, d1) -> (0, 0, 0, 0)>
#map2 = affine_map<(d0, d1) -> (0, 0, 0)>
module attributes {stable_mosaic.version = 14 : i64} {
  func.func @_sc_aggregate(%arg0: i32, %arg1: i32, %arg2: memref<10000x128xf32, #tpu.memory_space<hbm>>, %arg3: memref<32x2x40x125xi32, #tpu.memory_space<hbm>>, %arg4: memref<32x2x40x125xi32, #tpu.memory_space<hbm>>, %arg5: memref<10000x128xf32, #tpu.memory_space<hbm>>, %arg6: memref<2x10000x128xf32, #tpu.memory_space<hbm>>, %arg7: memref<40x125xi32, #tpu.memory_space<vmem>>, %arg8: memref<40x125xi32, #tpu.memory_space<vmem>>, %arg9: memref<250x128xf32, #tpu.memory_space<vmem>>, %arg10: memref<10000x128xf32, #tpu.memory_space<vmem_shared>>, %arg11: memref<!tpu.dma_semaphore, #tpu.memory_space<semaphore_mem>>, %arg12: memref<!tpu.dma_semaphore, #tpu.memory_space<semaphore_mem>>) attributes {dimension_semantics = [#tpu.dimension_semantics<core_parallel>, #tpu.dimension_semantics<subcore_parallel>], iteration_bounds = array<i64: 2, 16>, scalar_prefetch = 0 : i64, scratch_operands = 6 : i64, tpu.core_type = #tpu.core_type<sc_vector_subcore>, window_params = [{transform_indices = #map}, {transform_indices = #map1}, {transform_indices = #map1}, {transform_indices = #map}, {transform_indices = #map2}]} {
    %mul3A = arith.constant 16 : i32
    %mul3A_0 = arith.muli %arg0, %mul3A : i32
    %add3A = arith.addi %mul3A_0, %arg1 : i32
    %mul3A_1 = arith.constant 624 : i32
    %mul3A_2 = arith.muli %arg1, %mul3A_1 : i32
    %mul3A_3 = arith.constant 624 : i32
    %mul3A_4 = arith.muli %arg1, %mul3A_3 : i32
    "tpu.region"() ({
      %run_scoped3A_89 = tpu.sem_alloc : memref<!tpu.dma_semaphore, #tpu.memory_space<semaphore_mem>>
      %dma_start3A_90 = arith.constant 0 : i32
      %dma_start3A_91 = tpu.memref_slice %arg10[%mul3A_4, %dma_start3A_90] : memref<10000x128xf32, #tpu.memory_space<vmem_shared>> -> memref<624x128xf32, #tpu.memory_space<vmem_shared>>
      %dma_start3A_92 = arith.constant 0 : i32
      %dma_start3A_93 = tpu.memref_slice %arg5[%mul3A_2, %dma_start3A_92] : memref<10000x128xf32, #tpu.memory_space<hbm>> -> memref<624x128xf32, #tpu.memory_space<hbm>>
      tpu.enqueue_dma source(%dma_start3A_93 : memref<624x128xf32, #tpu.memory_space<hbm>>) target(%dma_start3A_91 : memref<624x128xf32, #tpu.memory_space<vmem_shared>>) target_semaphore(%run_scoped3A_89 : memref<!tpu.dma_semaphore, #tpu.memory_space<semaphore_mem>>)
      %dma_wait3A_94 = arith.constant 0 : i32
      %dma_wait3A_95 = tpu.memref_slice %arg10[%mul3A_4, %dma_wait3A_94] : memref<10000x128xf32, #tpu.memory_space<vmem_shared>> -> memref<624x128xf32, #tpu.memory_space<vmem_shared>>
      %dma_wait3A_96 = arith.constant 0 : i32
      %dma_wait3A_97 = tpu.memref_slice %arg5[%mul3A_2, %dma_wait3A_96] : memref<10000x128xf32, #tpu.memory_space<hbm>> -> memref<624x128xf32, #tpu.memory_space<hbm>>
      tpu.wait_dma2 semaphore(%run_scoped3A_89 : memref<!tpu.dma_semaphore, #tpu.memory_space<semaphore_mem>>) src(%dma_wait3A_97 : memref<624x128xf32, #tpu.memory_space<hbm>>) dst(%dma_wait3A_95 : memref<624x128xf32, #tpu.memory_space<vmem_shared>>)
      tpu.yield
    }) : () -> ()
    %eq3A = arith.constant 15 : i32
    %eq3A_5 = arith.cmpi eq, %arg1, %eq3A : i32
    %convert_element_type3A = arith.extui %eq3A_5 : i1 to i32
    %cond3A = arith.constant 0 : i32
    %cond3A_6 = arith.cmpi ne, %convert_element_type3A, %cond3A : i32
    scf.if %cond3A_6 {
      "tpu.region"() ({
        %run_scoped3A_89 = tpu.sem_alloc : memref<!tpu.dma_semaphore, #tpu.memory_space<semaphore_mem>>
        %dma_start3A_90 = arith.constant 9984 : i32
        %dma_start3A_91 = arith.constant 0 : i32
        %dma_start3A_92 = tpu.memref_slice %arg10[%dma_start3A_90, %dma_start3A_91] : memref<10000x128xf32, #tpu.memory_space<vmem_shared>> -> memref<16x128xf32, #tpu.memory_space<vmem_shared>>
        %dma_start3A_93 = arith.constant 9984 : i32
        %dma_start3A_94 = arith.constant 0 : i32
        %dma_start3A_95 = tpu.memref_slice %arg5[%dma_start3A_93, %dma_start3A_94] : memref<10000x128xf32, #tpu.memory_space<hbm>> -> memref<16x128xf32, #tpu.memory_space<hbm>>
        tpu.enqueue_dma source(%dma_start3A_95 : memref<16x128xf32, #tpu.memory_space<hbm>>) target(%dma_start3A_92 : memref<16x128xf32, #tpu.memory_space<vmem_shared>>) target_semaphore(%run_scoped3A_89 : memref<!tpu.dma_semaphore, #tpu.memory_space<semaphore_mem>>)
        %dma_wait3A_96 = arith.constant 9984 : i32
        %dma_wait3A_97 = arith.constant 0 : i32
        %dma_wait3A_98 = tpu.memref_slice %arg10[%dma_wait3A_96, %dma_wait3A_97] : memref<10000x128xf32, #tpu.memory_space<vmem_shared>> -> memref<16x128xf32, #tpu.memory_space<vmem_shared>>
        %dma_wait3A_99 = arith.constant 9984 : i32
        %dma_wait3A_100 = arith.constant 0 : i32
        %dma_wait3A_101 = tpu.memref_slice %arg5[%dma_wait3A_99, %dma_wait3A_100] : memref<10000x128xf32, #tpu.memory_space<hbm>> -> memref<16x128xf32, #tpu.memory_space<hbm>>
        tpu.wait_dma2 semaphore(%run_scoped3A_89 : memref<!tpu.dma_semaphore, #tpu.memory_space<semaphore_mem>>) src(%dma_wait3A_101 : memref<16x128xf32, #tpu.memory_space<hbm>>) dst(%dma_wait3A_98 : memref<16x128xf32, #tpu.memory_space<vmem_shared>>)
        tpu.yield
      }) : () -> ()
    } else {
    }
    %barrier3A = arith.constant 0 : index
    tpu.barrier barrier_id(%barrier3A)
    %run_scoped3A = arith.constant 0 : i32
    "tpu.region"() ({
      %run_scoped3A_89 = tpu.sem_alloc : memref<!tpu.dma_semaphore, #tpu.memory_space<semaphore_mem>>
      %dma_start3A_90 = arith.constant 0 : i32
      %dma_start3A_91 = arith.constant 0 : i32
      %dma_start3A_92 = tpu.memref_slice %arg3[%add3A, %run_scoped3A, %dma_start3A_90, %dma_start3A_91] : memref<32x2x40x125xi32, #tpu.memory_space<hbm>> -> memref<1x1x40x125xi32, #tpu.memory_space<hbm>>
      %dma_start3A_93 = tpu.memref_squeeze %dma_start3A_92 : memref<1x1x40x125xi32, #tpu.memory_space<hbm>> -> memref<40x125xi32, #tpu.memory_space<hbm>>
      %dma_start3A_94 = arith.constant 0 : i32
      %dma_start3A_95 = arith.constant 0 : i32
      %dma_start3A_96 = tpu.memref_slice %arg3[%add3A, %run_scoped3A, %dma_start3A_94, %dma_start3A_95] : memref<32x2x40x125xi32, #tpu.memory_space<hbm>> -> memref<1x1x40x125xi32, #tpu.memory_space<hbm>>
      %dma_start3A_97 = tpu.memref_squeeze %dma_start3A_96 : memref<1x1x40x125xi32, #tpu.memory_space<hbm>> -> memref<40x125xi32, #tpu.memory_space<hbm>>
      tpu.enqueue_dma source(%dma_start3A_97 : memref<40x125xi32, #tpu.memory_space<hbm>>) target(%arg7 : memref<40x125xi32, #tpu.memory_space<vmem>>) target_semaphore(%run_scoped3A_89 : memref<!tpu.dma_semaphore, #tpu.memory_space<semaphore_mem>>)
      %dma_wait3A_98 = arith.constant 0 : i32
      %dma_wait3A_99 = arith.constant 0 : i32
      %dma_wait3A_100 = tpu.memref_slice %arg3[%add3A, %run_scoped3A, %dma_wait3A_98, %dma_wait3A_99] : memref<32x2x40x125xi32, #tpu.memory_space<hbm>> -> memref<1x1x40x125xi32, #tpu.memory_space<hbm>>
      %dma_wait3A_101 = tpu.memref_squeeze %dma_wait3A_100 : memref<1x1x40x125xi32, #tpu.memory_space<hbm>> -> memref<40x125xi32, #tpu.memory_space<hbm>>
      %dma_wait3A_102 = arith.constant 0 : i32
      %dma_wait3A_103 = arith.constant 0 : i32
      %dma_wait3A_104 = tpu.memref_slice %arg3[%add3A, %run_scoped3A, %dma_wait3A_102, %dma_wait3A_103] : memref<32x2x40x125xi32, #tpu.memory_space<hbm>> -> memref<1x1x40x125xi32, #tpu.memory_space<hbm>>
      %dma_wait3A_105 = tpu.memref_squeeze %dma_wait3A_104 : memref<1x1x40x125xi32, #tpu.memory_space<hbm>> -> memref<40x125xi32, #tpu.memory_space<hbm>>
      tpu.wait_dma2 semaphore(%run_scoped3A_89 : memref<!tpu.dma_semaphore, #tpu.memory_space<semaphore_mem>>) src(%dma_wait3A_105 : memref<40x125xi32, #tpu.memory_space<hbm>>) dst(%arg7 : memref<40x125xi32, #tpu.memory_space<vmem>>)
      tpu.yield
    }) : () -> ()
    %run_scoped3A_7 = arith.constant 0 : i32
    "tpu.region"() ({
      %run_scoped3A_89 = tpu.sem_alloc : memref<!tpu.dma_semaphore, #tpu.memory_space<semaphore_mem>>
      %dma_start3A_90 = arith.constant 0 : i32
      %dma_start3A_91 = arith.constant 0 : i32
      %dma_start3A_92 = tpu.memref_slice %arg4[%add3A, %run_scoped3A_7, %dma_start3A_90, %dma_start3A_91] : memref<32x2x40x125xi32, #tpu.memory_space<hbm>> -> memref<1x1x40x125xi32, #tpu.memory_space<hbm>>
      %dma_start3A_93 = tpu.memref_squeeze %dma_start3A_92 : memref<1x1x40x125xi32, #tpu.memory_space<hbm>> -> memref<40x125xi32, #tpu.memory_space<hbm>>
      %dma_start3A_94 = arith.constant 0 : i32
      %dma_start3A_95 = arith.constant 0 : i32
      %dma_start3A_96 = tpu.memref_slice %arg4[%add3A, %run_scoped3A_7, %dma_start3A_94, %dma_start3A_95] : memref<32x2x40x125xi32, #tpu.memory_space<hbm>> -> memref<1x1x40x125xi32, #tpu.memory_space<hbm>>
      %dma_start3A_97 = tpu.memref_squeeze %dma_start3A_96 : memref<1x1x40x125xi32, #tpu.memory_space<hbm>> -> memref<40x125xi32, #tpu.memory_space<hbm>>
      tpu.enqueue_dma source(%dma_start3A_97 : memref<40x125xi32, #tpu.memory_space<hbm>>) target(%arg8 : memref<40x125xi32, #tpu.memory_space<vmem>>) target_semaphore(%run_scoped3A_89 : memref<!tpu.dma_semaphore, #tpu.memory_space<semaphore_mem>>)
      %dma_wait3A_98 = arith.constant 0 : i32
      %dma_wait3A_99 = arith.constant 0 : i32
      %dma_wait3A_100 = tpu.memref_slice %arg4[%add3A, %run_scoped3A_7, %dma_wait3A_98, %dma_wait3A_99] : memref<32x2x40x125xi32, #tpu.memory_space<hbm>> -> memref<1x1x40x125xi32, #tpu.memory_space<hbm>>
      %dma_wait3A_101 = tpu.memref_squeeze %dma_wait3A_100 : memref<1x1x40x125xi32, #tpu.memory_space<hbm>> -> memref<40x125xi32, #tpu.memory_space<hbm>>
      %dma_wait3A_102 = arith.constant 0 : i32
      %dma_wait3A_103 = arith.constant 0 : i32
      %dma_wait3A_104 = tpu.memref_slice %arg4[%add3A, %run_scoped3A_7, %dma_wait3A_102, %dma_wait3A_103] : memref<32x2x40x125xi32, #tpu.memory_space<hbm>> -> memref<1x1x40x125xi32, #tpu.memory_space<hbm>>
      %dma_wait3A_105 = tpu.memref_squeeze %dma_wait3A_104 : memref<1x1x40x125xi32, #tpu.memory_space<hbm>> -> memref<40x125xi32, #tpu.memory_space<hbm>>
      tpu.wait_dma2 semaphore(%run_scoped3A_89 : memref<!tpu.dma_semaphore, #tpu.memory_space<semaphore_mem>>) src(%dma_wait3A_105 : memref<40x125xi32, #tpu.memory_space<hbm>>) dst(%arg8 : memref<40x125xi32, #tpu.memory_space<vmem>>)
      tpu.yield
    }) : () -> ()
    %dma_start3A = arith.constant 0 : i32
    %dma_start3A_8 = arith.constant 0 : i32
    %dma_start3A_9 = arith.constant 0 : i32
    %dma_start3A_10 = tpu.memref_slice %arg9[%dma_start3A_8, %dma_start3A_9] : memref<250x128xf32, #tpu.memory_space<vmem>> -> memref<125x128xf32, #tpu.memory_space<vmem>>
    %dma_start3A_11 = arith.constant 0 : i32
    %dma_start3A_12 = tpu.memref_slice %arg7[%dma_start3A, %dma_start3A_11] : memref<40x125xi32, #tpu.memory_space<vmem>> -> memref<1x125xi32, #tpu.memory_space<vmem>>
    %dma_start3A_13 = tpu.memref_squeeze %dma_start3A_12 : memref<1x125xi32, #tpu.memory_space<vmem>> -> memref<125xi32, #tpu.memory_space<vmem>>
    %dma_start3A_14 = arith.constant 0 : i32
    %dma_start3A_15 = arith.constant 0 : i32
    %dma_start3A_16 = tpu.memref_slice %arg2[%dma_start3A_14, %dma_start3A_15] : memref<10000x128xf32, #tpu.memory_space<hbm>> -> memref<10000x128xf32, #tpu.memory_space<hbm>>
    tpu.enqueue_indirect_dma source(%dma_start3A_16 : memref<10000x128xf32, #tpu.memory_space<hbm>>) target(%dma_start3A_10 : memref<125x128xf32, #tpu.memory_space<vmem>>) offsets(%dma_start3A_13 : memref<125xi32, #tpu.memory_space<vmem>>) semaphore(%arg11 : memref<!tpu.dma_semaphore, #tpu.memory_space<semaphore_mem>>)
    %scan3A = arith.constant 0 : i32
    %scan3A_17 = arith.constant 0 : i32
    %scan3A_18 = arith.constant 40 : i32
    %scan3A_19 = arith.addi %scan3A_17, %scan3A_18 : i32
    %scan3A_20 = arith.constant 1 : i32
    scf.for %scan3A_89 = %scan3A_17 to %scan3A_19 step %scan3A_20  : i32 {
      %rem3A = arith.constant 2 : i32
      %rem3A_90 = arith.remsi %scan3A_89, %rem3A : i32
      %mul3A_91 = arith.constant 125 : i32
      %mul3A_92 = arith.muli %rem3A_90, %mul3A_91 : i32
      %dma_wait3A_93 = arith.constant 0 : i32
      %dma_wait3A_94 = tpu.memref_slice %arg9[%mul3A_92, %dma_wait3A_93] : memref<250x128xf32, #tpu.memory_space<vmem>> -> memref<125x128xf32, #tpu.memory_space<vmem>>
      %dma_wait3A_95 = arith.constant 0 : i32
      %dma_wait3A_96 = tpu.memref_slice %arg7[%scan3A_89, %dma_wait3A_95] : memref<40x125xi32, #tpu.memory_space<vmem>> -> memref<1x125xi32, #tpu.memory_space<vmem>>
      %dma_wait3A_97 = tpu.memref_squeeze %dma_wait3A_96 : memref<1x125xi32, #tpu.memory_space<vmem>> -> memref<125xi32, #tpu.memory_space<vmem>>
      %dma_wait3A_98 = arith.constant 0 : i32
      %dma_wait3A_99 = arith.constant 0 : i32
      %dma_wait3A_100 = tpu.memref_slice %arg2[%dma_wait3A_98, %dma_wait3A_99] : memref<10000x128xf32, #tpu.memory_space<hbm>> -> memref<10000x128xf32, #tpu.memory_space<hbm>>
      tpu.wait_indirect_dma semaphore(%arg11 : memref<!tpu.dma_semaphore, #tpu.memory_space<semaphore_mem>>) src(%dma_wait3A_100 : memref<10000x128xf32, #tpu.memory_space<hbm>>) dst(%dma_wait3A_94 : memref<125x128xf32, #tpu.memory_space<vmem>>)
      %lt3A = arith.constant 39 : i32
      %lt3A_101 = arith.cmpi slt, %scan3A_89, %lt3A : i32
      %convert_element_type3A_102 = arith.extui %lt3A_101 : i1 to i32
      %cond3A_103 = arith.constant 0 : i32
      %cond3A_104 = arith.cmpi ne, %convert_element_type3A_102, %cond3A_103 : i32
      scf.if %cond3A_104 {
        %add3A_113 = arith.constant 1 : i32
        %add3A_114 = arith.addi %scan3A_89, %add3A_113 : i32
        %rem3A_115 = arith.constant 2 : i32
        %rem3A_116 = arith.remsi %add3A_114, %rem3A_115 : i32
        %mul3A_117 = arith.constant 125 : i32
        %mul3A_118 = arith.muli %rem3A_116, %mul3A_117 : i32
        %ge3A = arith.constant 1 : i32
        %ge3A_119 = arith.cmpi sge, %scan3A_89, %ge3A : i32
        %convert_element_type3A_120 = arith.extui %ge3A_119 : i1 to i32
        %cond3A_121 = arith.constant 0 : i32
        %cond3A_122 = arith.cmpi ne, %convert_element_type3A_120, %cond3A_121 : i32
        scf.if %cond3A_122 {
          %add3A_133 = arith.constant 1 : i32
          %add3A_134 = arith.addi %scan3A_89, %add3A_133 : i32
          %sub3A = arith.constant 2 : i32
          %sub3A_135 = arith.subi %add3A_134, %sub3A : i32
          %dma_wait3A_136 = arith.constant 0 : i32
          %dma_wait3A_137 = tpu.memref_slice %arg9[%mul3A_118, %dma_wait3A_136] : memref<250x128xf32, #tpu.memory_space<vmem>> -> memref<125x128xf32, #tpu.memory_space<vmem>>
          %dma_wait3A_138 = arith.constant 0 : i32
          %dma_wait3A_139 = tpu.memref_slice %arg8[%sub3A_135, %dma_wait3A_138] : memref<40x125xi32, #tpu.memory_space<vmem>> -> memref<1x125xi32, #tpu.memory_space<vmem>>
          %dma_wait3A_140 = tpu.memref_squeeze %dma_wait3A_139 : memref<1x125xi32, #tpu.memory_space<vmem>> -> memref<125xi32, #tpu.memory_space<vmem>>
          %dma_wait3A_141 = arith.constant 0 : i32
          %dma_wait3A_142 = arith.constant 0 : i32
          %dma_wait3A_143 = tpu.memref_slice %arg10[%dma_wait3A_141, %dma_wait3A_142] : memref<10000x128xf32, #tpu.memory_space<vmem_shared>> -> memref<10000x128xf32, #tpu.memory_space<vmem_shared>>
          tpu.wait_indirect_dma semaphore(%arg12 : memref<!tpu.dma_semaphore, #tpu.memory_space<semaphore_mem>>) src(%dma_wait3A_137 : memref<125x128xf32, #tpu.memory_space<vmem>>) dst(%dma_wait3A_143 : memref<10000x128xf32, #tpu.memory_space<vmem_shared>>)
        } else {
        }
        %add3A_123 = arith.constant 1 : i32
        %add3A_124 = arith.addi %scan3A_89, %add3A_123 : i32
        %dma_start3A_125 = arith.constant 0 : i32
        %dma_start3A_126 = tpu.memref_slice %arg9[%mul3A_118, %dma_start3A_125] : memref<250x128xf32, #tpu.memory_space<vmem>> -> memref<125x128xf32, #tpu.memory_space<vmem>>
        %dma_start3A_127 = arith.constant 0 : i32
        %dma_start3A_128 = tpu.memref_slice %arg7[%add3A_124, %dma_start3A_127] : memref<40x125xi32, #tpu.memory_space<vmem>> -> memref<1x125xi32, #tpu.memory_space<vmem>>
        %dma_start3A_129 = tpu.memref_squeeze %dma_start3A_128 : memref<1x125xi32, #tpu.memory_space<vmem>> -> memref<125xi32, #tpu.memory_space<vmem>>
        %dma_start3A_130 = arith.constant 0 : i32
        %dma_start3A_131 = arith.constant 0 : i32
        %dma_start3A_132 = tpu.memref_slice %arg2[%dma_start3A_130, %dma_start3A_131] : memref<10000x128xf32, #tpu.memory_space<hbm>> -> memref<10000x128xf32, #tpu.memory_space<hbm>>
        tpu.enqueue_indirect_dma source(%dma_start3A_132 : memref<10000x128xf32, #tpu.memory_space<hbm>>) target(%dma_start3A_126 : memref<125x128xf32, #tpu.memory_space<vmem>>) offsets(%dma_start3A_129 : memref<125xi32, #tpu.memory_space<vmem>>) semaphore(%arg11 : memref<!tpu.dma_semaphore, #tpu.memory_space<semaphore_mem>>)
      } else {
      }
      %dma_start3A_105 = arith.constant 0 : i32
      %dma_start3A_106 = tpu.memref_slice %arg9[%mul3A_92, %dma_start3A_105] : memref<250x128xf32, #tpu.memory_space<vmem>> -> memref<125x128xf32, #tpu.memory_space<vmem>>
      %dma_start3A_107 = arith.constant 0 : i32
      %dma_start3A_108 = tpu.memref_slice %arg8[%scan3A_89, %dma_start3A_107] : memref<40x125xi32, #tpu.memory_space<vmem>> -> memref<1x125xi32, #tpu.memory_space<vmem>>
      %dma_start3A_109 = tpu.memref_squeeze %dma_start3A_108 : memref<1x125xi32, #tpu.memory_space<vmem>> -> memref<125xi32, #tpu.memory_space<vmem>>
      %dma_start3A_110 = arith.constant 0 : i32
      %dma_start3A_111 = arith.constant 0 : i32
      %dma_start3A_112 = tpu.memref_slice %arg10[%dma_start3A_110, %dma_start3A_111] : memref<10000x128xf32, #tpu.memory_space<vmem_shared>> -> memref<10000x128xf32, #tpu.memory_space<vmem_shared>>
      tpu.enqueue_indirect_dma source(%dma_start3A_106 : memref<125x128xf32, #tpu.memory_space<vmem>>) target(%dma_start3A_112 : memref<10000x128xf32, #tpu.memory_space<vmem_shared>>) offsets(%dma_start3A_109 : memref<125xi32, #tpu.memory_space<vmem>>) semaphore(%arg12 : memref<!tpu.dma_semaphore, #tpu.memory_space<semaphore_mem>>) {add = true}
    }
    %scan3A_21 = arith.constant 40 : i32
    %dma_wait3A = arith.constant 38 : i32
    %dma_wait3A_22 = arith.constant 0 : i32
    %dma_wait3A_23 = arith.constant 0 : i32
    %dma_wait3A_24 = tpu.memref_slice %arg9[%dma_wait3A_22, %dma_wait3A_23] : memref<250x128xf32, #tpu.memory_space<vmem>> -> memref<125x128xf32, #tpu.memory_space<vmem>>
    %dma_wait3A_25 = arith.constant 0 : i32
    %dma_wait3A_26 = tpu.memref_slice %arg8[%dma_wait3A, %dma_wait3A_25] : memref<40x125xi32, #tpu.memory_space<vmem>> -> memref<1x125xi32, #tpu.memory_space<vmem>>
    %dma_wait3A_27 = tpu.memref_squeeze %dma_wait3A_26 : memref<1x125xi32, #tpu.memory_space<vmem>> -> memref<125xi32, #tpu.memory_space<vmem>>
    %dma_wait3A_28 = arith.constant 0 : i32
    %dma_wait3A_29 = arith.constant 0 : i32
    %dma_wait3A_30 = tpu.memref_slice %arg10[%dma_wait3A_28, %dma_wait3A_29] : memref<10000x128xf32, #tpu.memory_space<vmem_shared>> -> memref<10000x128xf32, #tpu.memory_space<vmem_shared>>
    tpu.wait_indirect_dma semaphore(%arg12 : memref<!tpu.dma_semaphore, #tpu.memory_space<semaphore_mem>>) src(%dma_wait3A_24 : memref<125x128xf32, #tpu.memory_space<vmem>>) dst(%dma_wait3A_30 : memref<10000x128xf32, #tpu.memory_space<vmem_shared>>)
    %dma_wait3A_31 = arith.constant 39 : i32
    %dma_wait3A_32 = arith.constant 125 : i32
    %dma_wait3A_33 = arith.constant 0 : i32
    %dma_wait3A_34 = tpu.memref_slice %arg9[%dma_wait3A_32, %dma_wait3A_33] : memref<250x128xf32, #tpu.memory_space<vmem>> -> memref<125x128xf32, #tpu.memory_space<vmem>>
    %dma_wait3A_35 = arith.constant 0 : i32
    %dma_wait3A_36 = tpu.memref_slice %arg8[%dma_wait3A_31, %dma_wait3A_35] : memref<40x125xi32, #tpu.memory_space<vmem>> -> memref<1x125xi32, #tpu.memory_space<vmem>>
    %dma_wait3A_37 = tpu.memref_squeeze %dma_wait3A_36 : memref<1x125xi32, #tpu.memory_space<vmem>> -> memref<125xi32, #tpu.memory_space<vmem>>
    %dma_wait3A_38 = arith.constant 0 : i32
    %dma_wait3A_39 = arith.constant 0 : i32
    %dma_wait3A_40 = tpu.memref_slice %arg10[%dma_wait3A_38, %dma_wait3A_39] : memref<10000x128xf32, #tpu.memory_space<vmem_shared>> -> memref<10000x128xf32, #tpu.memory_space<vmem_shared>>
    tpu.wait_indirect_dma semaphore(%arg12 : memref<!tpu.dma_semaphore, #tpu.memory_space<semaphore_mem>>) src(%dma_wait3A_34 : memref<125x128xf32, #tpu.memory_space<vmem>>) dst(%dma_wait3A_40 : memref<10000x128xf32, #tpu.memory_space<vmem_shared>>)
    %run_scoped3A_41 = arith.constant 1 : i32
    "tpu.region"() ({
      %run_scoped3A_89 = tpu.sem_alloc : memref<!tpu.dma_semaphore, #tpu.memory_space<semaphore_mem>>
      %dma_start3A_90 = arith.constant 0 : i32
      %dma_start3A_91 = arith.constant 0 : i32
      %dma_start3A_92 = tpu.memref_slice %arg3[%add3A, %run_scoped3A_41, %dma_start3A_90, %dma_start3A_91] : memref<32x2x40x125xi32, #tpu.memory_space<hbm>> -> memref<1x1x40x125xi32, #tpu.memory_space<hbm>>
      %dma_start3A_93 = tpu.memref_squeeze %dma_start3A_92 : memref<1x1x40x125xi32, #tpu.memory_space<hbm>> -> memref<40x125xi32, #tpu.memory_space<hbm>>
      %dma_start3A_94 = arith.constant 0 : i32
      %dma_start3A_95 = arith.constant 0 : i32
      %dma_start3A_96 = tpu.memref_slice %arg3[%add3A, %run_scoped3A_41, %dma_start3A_94, %dma_start3A_95] : memref<32x2x40x125xi32, #tpu.memory_space<hbm>> -> memref<1x1x40x125xi32, #tpu.memory_space<hbm>>
      %dma_start3A_97 = tpu.memref_squeeze %dma_start3A_96 : memref<1x1x40x125xi32, #tpu.memory_space<hbm>> -> memref<40x125xi32, #tpu.memory_space<hbm>>
      tpu.enqueue_dma source(%dma_start3A_97 : memref<40x125xi32, #tpu.memory_space<hbm>>) target(%arg7 : memref<40x125xi32, #tpu.memory_space<vmem>>) target_semaphore(%run_scoped3A_89 : memref<!tpu.dma_semaphore, #tpu.memory_space<semaphore_mem>>)
      %dma_wait3A_98 = arith.constant 0 : i32
      %dma_wait3A_99 = arith.constant 0 : i32
      %dma_wait3A_100 = tpu.memref_slice %arg3[%add3A, %run_scoped3A_41, %dma_wait3A_98, %dma_wait3A_99] : memref<32x2x40x125xi32, #tpu.memory_space<hbm>> -> memref<1x1x40x125xi32, #tpu.memory_space<hbm>>
      %dma_wait3A_101 = tpu.memref_squeeze %dma_wait3A_100 : memref<1x1x40x125xi32, #tpu.memory_space<hbm>> -> memref<40x125xi32, #tpu.memory_space<hbm>>
      %dma_wait3A_102 = arith.constant 0 : i32
      %dma_wait3A_103 = arith.constant 0 : i32
      %dma_wait3A_104 = tpu.memref_slice %arg3[%add3A, %run_scoped3A_41, %dma_wait3A_102, %dma_wait3A_103] : memref<32x2x40x125xi32, #tpu.memory_space<hbm>> -> memref<1x1x40x125xi32, #tpu.memory_space<hbm>>
      %dma_wait3A_105 = tpu.memref_squeeze %dma_wait3A_104 : memref<1x1x40x125xi32, #tpu.memory_space<hbm>> -> memref<40x125xi32, #tpu.memory_space<hbm>>
      tpu.wait_dma2 semaphore(%run_scoped3A_89 : memref<!tpu.dma_semaphore, #tpu.memory_space<semaphore_mem>>) src(%dma_wait3A_105 : memref<40x125xi32, #tpu.memory_space<hbm>>) dst(%arg7 : memref<40x125xi32, #tpu.memory_space<vmem>>)
      tpu.yield
    }) : () -> ()
    %run_scoped3A_42 = arith.constant 1 : i32
    "tpu.region"() ({
      %run_scoped3A_89 = tpu.sem_alloc : memref<!tpu.dma_semaphore, #tpu.memory_space<semaphore_mem>>
      %dma_start3A_90 = arith.constant 0 : i32
      %dma_start3A_91 = arith.constant 0 : i32
      %dma_start3A_92 = tpu.memref_slice %arg4[%add3A, %run_scoped3A_42, %dma_start3A_90, %dma_start3A_91] : memref<32x2x40x125xi32, #tpu.memory_space<hbm>> -> memref<1x1x40x125xi32, #tpu.memory_space<hbm>>
      %dma_start3A_93 = tpu.memref_squeeze %dma_start3A_92 : memref<1x1x40x125xi32, #tpu.memory_space<hbm>> -> memref<40x125xi32, #tpu.memory_space<hbm>>
      %dma_start3A_94 = arith.constant 0 : i32
      %dma_start3A_95 = arith.constant 0 : i32
      %dma_start3A_96 = tpu.memref_slice %arg4[%add3A, %run_scoped3A_42, %dma_start3A_94, %dma_start3A_95] : memref<32x2x40x125xi32, #tpu.memory_space<hbm>> -> memref<1x1x40x125xi32, #tpu.memory_space<hbm>>
      %dma_start3A_97 = tpu.memref_squeeze %dma_start3A_96 : memref<1x1x40x125xi32, #tpu.memory_space<hbm>> -> memref<40x125xi32, #tpu.memory_space<hbm>>
      tpu.enqueue_dma source(%dma_start3A_97 : memref<40x125xi32, #tpu.memory_space<hbm>>) target(%arg8 : memref<40x125xi32, #tpu.memory_space<vmem>>) target_semaphore(%run_scoped3A_89 : memref<!tpu.dma_semaphore, #tpu.memory_space<semaphore_mem>>)
      %dma_wait3A_98 = arith.constant 0 : i32
      %dma_wait3A_99 = arith.constant 0 : i32
      %dma_wait3A_100 = tpu.memref_slice %arg4[%add3A, %run_scoped3A_42, %dma_wait3A_98, %dma_wait3A_99] : memref<32x2x40x125xi32, #tpu.memory_space<hbm>> -> memref<1x1x40x125xi32, #tpu.memory_space<hbm>>
      %dma_wait3A_101 = tpu.memref_squeeze %dma_wait3A_100 : memref<1x1x40x125xi32, #tpu.memory_space<hbm>> -> memref<40x125xi32, #tpu.memory_space<hbm>>
      %dma_wait3A_102 = arith.constant 0 : i32
      %dma_wait3A_103 = arith.constant 0 : i32
      %dma_wait3A_104 = tpu.memref_slice %arg4[%add3A, %run_scoped3A_42, %dma_wait3A_102, %dma_wait3A_103] : memref<32x2x40x125xi32, #tpu.memory_space<hbm>> -> memref<1x1x40x125xi32, #tpu.memory_space<hbm>>
      %dma_wait3A_105 = tpu.memref_squeeze %dma_wait3A_104 : memref<1x1x40x125xi32, #tpu.memory_space<hbm>> -> memref<40x125xi32, #tpu.memory_space<hbm>>
      tpu.wait_dma2 semaphore(%run_scoped3A_89 : memref<!tpu.dma_semaphore, #tpu.memory_space<semaphore_mem>>) src(%dma_wait3A_105 : memref<40x125xi32, #tpu.memory_space<hbm>>) dst(%arg8 : memref<40x125xi32, #tpu.memory_space<vmem>>)
      tpu.yield
    }) : () -> ()
    %dma_start3A_43 = arith.constant 0 : i32
    %dma_start3A_44 = arith.constant 0 : i32
    %dma_start3A_45 = arith.constant 0 : i32
    %dma_start3A_46 = tpu.memref_slice %arg9[%dma_start3A_44, %dma_start3A_45] : memref<250x128xf32, #tpu.memory_space<vmem>> -> memref<125x128xf32, #tpu.memory_space<vmem>>
    %dma_start3A_47 = arith.constant 0 : i32
    %dma_start3A_48 = tpu.memref_slice %arg7[%dma_start3A_43, %dma_start3A_47] : memref<40x125xi32, #tpu.memory_space<vmem>> -> memref<1x125xi32, #tpu.memory_space<vmem>>
    %dma_start3A_49 = tpu.memref_squeeze %dma_start3A_48 : memref<1x125xi32, #tpu.memory_space<vmem>> -> memref<125xi32, #tpu.memory_space<vmem>>
    %dma_start3A_50 = arith.constant 0 : i32
    %dma_start3A_51 = arith.constant 0 : i32
    %dma_start3A_52 = tpu.memref_slice %arg2[%dma_start3A_50, %dma_start3A_51] : memref<10000x128xf32, #tpu.memory_space<hbm>> -> memref<10000x128xf32, #tpu.memory_space<hbm>>
    tpu.enqueue_indirect_dma source(%dma_start3A_52 : memref<10000x128xf32, #tpu.memory_space<hbm>>) target(%dma_start3A_46 : memref<125x128xf32, #tpu.memory_space<vmem>>) offsets(%dma_start3A_49 : memref<125xi32, #tpu.memory_space<vmem>>) semaphore(%arg11 : memref<!tpu.dma_semaphore, #tpu.memory_space<semaphore_mem>>)
    %scan3A_53 = arith.constant 0 : i32
    %scan3A_54 = arith.constant 0 : i32
    %scan3A_55 = arith.constant 40 : i32
    %scan3A_56 = arith.addi %scan3A_54, %scan3A_55 : i32
    %scan3A_57 = arith.constant 1 : i32
    scf.for %scan3A_89 = %scan3A_54 to %scan3A_56 step %scan3A_57  : i32 {
      %rem3A = arith.constant 2 : i32
      %rem3A_90 = arith.remsi %scan3A_89, %rem3A : i32
      %mul3A_91 = arith.constant 125 : i32
      %mul3A_92 = arith.muli %rem3A_90, %mul3A_91 : i32
      %dma_wait3A_93 = arith.constant 0 : i32
      %dma_wait3A_94 = tpu.memref_slice %arg9[%mul3A_92, %dma_wait3A_93] : memref<250x128xf32, #tpu.memory_space<vmem>> -> memref<125x128xf32, #tpu.memory_space<vmem>>
      %dma_wait3A_95 = arith.constant 0 : i32
      %dma_wait3A_96 = tpu.memref_slice %arg7[%scan3A_89, %dma_wait3A_95] : memref<40x125xi32, #tpu.memory_space<vmem>> -> memref<1x125xi32, #tpu.memory_space<vmem>>
      %dma_wait3A_97 = tpu.memref_squeeze %dma_wait3A_96 : memref<1x125xi32, #tpu.memory_space<vmem>> -> memref<125xi32, #tpu.memory_space<vmem>>
      %dma_wait3A_98 = arith.constant 0 : i32
      %dma_wait3A_99 = arith.constant 0 : i32
      %dma_wait3A_100 = tpu.memref_slice %arg2[%dma_wait3A_98, %dma_wait3A_99] : memref<10000x128xf32, #tpu.memory_space<hbm>> -> memref<10000x128xf32, #tpu.memory_space<hbm>>
      tpu.wait_indirect_dma semaphore(%arg11 : memref<!tpu.dma_semaphore, #tpu.memory_space<semaphore_mem>>) src(%dma_wait3A_100 : memref<10000x128xf32, #tpu.memory_space<hbm>>) dst(%dma_wait3A_94 : memref<125x128xf32, #tpu.memory_space<vmem>>)
      %lt3A = arith.constant 39 : i32
      %lt3A_101 = arith.cmpi slt, %scan3A_89, %lt3A : i32
      %convert_element_type3A_102 = arith.extui %lt3A_101 : i1 to i32
      %cond3A_103 = arith.constant 0 : i32
      %cond3A_104 = arith.cmpi ne, %convert_element_type3A_102, %cond3A_103 : i32
      scf.if %cond3A_104 {
        %add3A_113 = arith.constant 1 : i32
        %add3A_114 = arith.addi %scan3A_89, %add3A_113 : i32
        %rem3A_115 = arith.constant 2 : i32
        %rem3A_116 = arith.remsi %add3A_114, %rem3A_115 : i32
        %mul3A_117 = arith.constant 125 : i32
        %mul3A_118 = arith.muli %rem3A_116, %mul3A_117 : i32
        %ge3A = arith.constant 1 : i32
        %ge3A_119 = arith.cmpi sge, %scan3A_89, %ge3A : i32
        %convert_element_type3A_120 = arith.extui %ge3A_119 : i1 to i32
        %cond3A_121 = arith.constant 0 : i32
        %cond3A_122 = arith.cmpi ne, %convert_element_type3A_120, %cond3A_121 : i32
        scf.if %cond3A_122 {
          %add3A_133 = arith.constant 1 : i32
          %add3A_134 = arith.addi %scan3A_89, %add3A_133 : i32
          %sub3A = arith.constant 2 : i32
          %sub3A_135 = arith.subi %add3A_134, %sub3A : i32
          %dma_wait3A_136 = arith.constant 0 : i32
          %dma_wait3A_137 = tpu.memref_slice %arg9[%mul3A_118, %dma_wait3A_136] : memref<250x128xf32, #tpu.memory_space<vmem>> -> memref<125x128xf32, #tpu.memory_space<vmem>>
          %dma_wait3A_138 = arith.constant 0 : i32
          %dma_wait3A_139 = tpu.memref_slice %arg8[%sub3A_135, %dma_wait3A_138] : memref<40x125xi32, #tpu.memory_space<vmem>> -> memref<1x125xi32, #tpu.memory_space<vmem>>
          %dma_wait3A_140 = tpu.memref_squeeze %dma_wait3A_139 : memref<1x125xi32, #tpu.memory_space<vmem>> -> memref<125xi32, #tpu.memory_space<vmem>>
          %dma_wait3A_141 = arith.constant 0 : i32
          %dma_wait3A_142 = arith.constant 0 : i32
          %dma_wait3A_143 = tpu.memref_slice %arg10[%dma_wait3A_141, %dma_wait3A_142] : memref<10000x128xf32, #tpu.memory_space<vmem_shared>> -> memref<10000x128xf32, #tpu.memory_space<vmem_shared>>
          tpu.wait_indirect_dma semaphore(%arg12 : memref<!tpu.dma_semaphore, #tpu.memory_space<semaphore_mem>>) src(%dma_wait3A_137 : memref<125x128xf32, #tpu.memory_space<vmem>>) dst(%dma_wait3A_143 : memref<10000x128xf32, #tpu.memory_space<vmem_shared>>)
        } else {
        }
        %add3A_123 = arith.constant 1 : i32
        %add3A_124 = arith.addi %scan3A_89, %add3A_123 : i32
        %dma_start3A_125 = arith.constant 0 : i32
        %dma_start3A_126 = tpu.memref_slice %arg9[%mul3A_118, %dma_start3A_125] : memref<250x128xf32, #tpu.memory_space<vmem>> -> memref<125x128xf32, #tpu.memory_space<vmem>>
        %dma_start3A_127 = arith.constant 0 : i32
        %dma_start3A_128 = tpu.memref_slice %arg7[%add3A_124, %dma_start3A_127] : memref<40x125xi32, #tpu.memory_space<vmem>> -> memref<1x125xi32, #tpu.memory_space<vmem>>
        %dma_start3A_129 = tpu.memref_squeeze %dma_start3A_128 : memref<1x125xi32, #tpu.memory_space<vmem>> -> memref<125xi32, #tpu.memory_space<vmem>>
        %dma_start3A_130 = arith.constant 0 : i32
        %dma_start3A_131 = arith.constant 0 : i32
        %dma_start3A_132 = tpu.memref_slice %arg2[%dma_start3A_130, %dma_start3A_131] : memref<10000x128xf32, #tpu.memory_space<hbm>> -> memref<10000x128xf32, #tpu.memory_space<hbm>>
        tpu.enqueue_indirect_dma source(%dma_start3A_132 : memref<10000x128xf32, #tpu.memory_space<hbm>>) target(%dma_start3A_126 : memref<125x128xf32, #tpu.memory_space<vmem>>) offsets(%dma_start3A_129 : memref<125xi32, #tpu.memory_space<vmem>>) semaphore(%arg11 : memref<!tpu.dma_semaphore, #tpu.memory_space<semaphore_mem>>)
      } else {
      }
      %dma_start3A_105 = arith.constant 0 : i32
      %dma_start3A_106 = tpu.memref_slice %arg9[%mul3A_92, %dma_start3A_105] : memref<250x128xf32, #tpu.memory_space<vmem>> -> memref<125x128xf32, #tpu.memory_space<vmem>>
      %dma_start3A_107 = arith.constant 0 : i32
      %dma_start3A_108 = tpu.memref_slice %arg8[%scan3A_89, %dma_start3A_107] : memref<40x125xi32, #tpu.memory_space<vmem>> -> memref<1x125xi32, #tpu.memory_space<vmem>>
      %dma_start3A_109 = tpu.memref_squeeze %dma_start3A_108 : memref<1x125xi32, #tpu.memory_space<vmem>> -> memref<125xi32, #tpu.memory_space<vmem>>
      %dma_start3A_110 = arith.constant 0 : i32
      %dma_start3A_111 = arith.constant 0 : i32
      %dma_start3A_112 = tpu.memref_slice %arg10[%dma_start3A_110, %dma_start3A_111] : memref<10000x128xf32, #tpu.memory_space<vmem_shared>> -> memref<10000x128xf32, #tpu.memory_space<vmem_shared>>
      tpu.enqueue_indirect_dma source(%dma_start3A_106 : memref<125x128xf32, #tpu.memory_space<vmem>>) target(%dma_start3A_112 : memref<10000x128xf32, #tpu.memory_space<vmem_shared>>) offsets(%dma_start3A_109 : memref<125xi32, #tpu.memory_space<vmem>>) semaphore(%arg12 : memref<!tpu.dma_semaphore, #tpu.memory_space<semaphore_mem>>) {add = true}
    }
    %scan3A_58 = arith.constant 40 : i32
    %dma_wait3A_59 = arith.constant 38 : i32
    %dma_wait3A_60 = arith.constant 0 : i32
    %dma_wait3A_61 = arith.constant 0 : i32
    %dma_wait3A_62 = tpu.memref_slice %arg9[%dma_wait3A_60, %dma_wait3A_61] : memref<250x128xf32, #tpu.memory_space<vmem>> -> memref<125x128xf32, #tpu.memory_space<vmem>>
    %dma_wait3A_63 = arith.constant 0 : i32
    %dma_wait3A_64 = tpu.memref_slice %arg8[%dma_wait3A_59, %dma_wait3A_63] : memref<40x125xi32, #tpu.memory_space<vmem>> -> memref<1x125xi32, #tpu.memory_space<vmem>>
    %dma_wait3A_65 = tpu.memref_squeeze %dma_wait3A_64 : memref<1x125xi32, #tpu.memory_space<vmem>> -> memref<125xi32, #tpu.memory_space<vmem>>
    %dma_wait3A_66 = arith.constant 0 : i32
    %dma_wait3A_67 = arith.constant 0 : i32
    %dma_wait3A_68 = tpu.memref_slice %arg10[%dma_wait3A_66, %dma_wait3A_67] : memref<10000x128xf32, #tpu.memory_space<vmem_shared>> -> memref<10000x128xf32, #tpu.memory_space<vmem_shared>>
    tpu.wait_indirect_dma semaphore(%arg12 : memref<!tpu.dma_semaphore, #tpu.memory_space<semaphore_mem>>) src(%dma_wait3A_62 : memref<125x128xf32, #tpu.memory_space<vmem>>) dst(%dma_wait3A_68 : memref<10000x128xf32, #tpu.memory_space<vmem_shared>>)
    %dma_wait3A_69 = arith.constant 39 : i32
    %dma_wait3A_70 = arith.constant 125 : i32
    %dma_wait3A_71 = arith.constant 0 : i32
    %dma_wait3A_72 = tpu.memref_slice %arg9[%dma_wait3A_70, %dma_wait3A_71] : memref<250x128xf32, #tpu.memory_space<vmem>> -> memref<125x128xf32, #tpu.memory_space<vmem>>
    %dma_wait3A_73 = arith.constant 0 : i32
    %dma_wait3A_74 = tpu.memref_slice %arg8[%dma_wait3A_69, %dma_wait3A_73] : memref<40x125xi32, #tpu.memory_space<vmem>> -> memref<1x125xi32, #tpu.memory_space<vmem>>
    %dma_wait3A_75 = tpu.memref_squeeze %dma_wait3A_74 : memref<1x125xi32, #tpu.memory_space<vmem>> -> memref<125xi32, #tpu.memory_space<vmem>>
    %dma_wait3A_76 = arith.constant 0 : i32
    %dma_wait3A_77 = arith.constant 0 : i32
    %dma_wait3A_78 = tpu.memref_slice %arg10[%dma_wait3A_76, %dma_wait3A_77] : memref<10000x128xf32, #tpu.memory_space<vmem_shared>> -> memref<10000x128xf32, #tpu.memory_space<vmem_shared>>
    tpu.wait_indirect_dma semaphore(%arg12 : memref<!tpu.dma_semaphore, #tpu.memory_space<semaphore_mem>>) src(%dma_wait3A_72 : memref<125x128xf32, #tpu.memory_space<vmem>>) dst(%dma_wait3A_78 : memref<10000x128xf32, #tpu.memory_space<vmem_shared>>)
    %barrier3A_79 = arith.constant 0 : index
    tpu.barrier barrier_id(%barrier3A_79)
    %mul3A_80 = arith.constant 624 : i32
    %mul3A_81 = arith.muli %arg1, %mul3A_80 : i32
    %mul3A_82 = arith.constant 624 : i32
    %mul3A_83 = arith.muli %arg1, %mul3A_82 : i32
    "tpu.region"() ({
      %run_scoped3A_89 = tpu.sem_alloc : memref<!tpu.dma_semaphore, #tpu.memory_space<semaphore_mem>>
      %dma_start3A_90 = arith.constant 0 : i32
      %dma_start3A_91 = tpu.memref_slice %arg6[%arg0, %mul3A_83, %dma_start3A_90] : memref<2x10000x128xf32, #tpu.memory_space<hbm>> -> memref<1x624x128xf32, #tpu.memory_space<hbm>>
      %dma_start3A_92 = tpu.memref_squeeze %dma_start3A_91 : memref<1x624x128xf32, #tpu.memory_space<hbm>> -> memref<624x128xf32, #tpu.memory_space<hbm>>
      %dma_start3A_93 = arith.constant 0 : i32
      %dma_start3A_94 = tpu.memref_slice %arg10[%mul3A_81, %dma_start3A_93] : memref<10000x128xf32, #tpu.memory_space<vmem_shared>> -> memref<624x128xf32, #tpu.memory_space<vmem_shared>>
      tpu.enqueue_dma source(%dma_start3A_94 : memref<624x128xf32, #tpu.memory_space<vmem_shared>>) target(%dma_start3A_92 : memref<624x128xf32, #tpu.memory_space<hbm>>) target_semaphore(%run_scoped3A_89 : memref<!tpu.dma_semaphore, #tpu.memory_space<semaphore_mem>>)
      %dma_wait3A_95 = arith.constant 0 : i32
      %dma_wait3A_96 = tpu.memref_slice %arg6[%arg0, %mul3A_83, %dma_wait3A_95] : memref<2x10000x128xf32, #tpu.memory_space<hbm>> -> memref<1x624x128xf32, #tpu.memory_space<hbm>>
      %dma_wait3A_97 = tpu.memref_squeeze %dma_wait3A_96 : memref<1x624x128xf32, #tpu.memory_space<hbm>> -> memref<624x128xf32, #tpu.memory_space<hbm>>
      %dma_wait3A_98 = arith.constant 0 : i32
      %dma_wait3A_99 = tpu.memref_slice %arg10[%mul3A_81, %dma_wait3A_98] : memref<10000x128xf32, #tpu.memory_space<vmem_shared>> -> memref<624x128xf32, #tpu.memory_space<vmem_shared>>
      tpu.wait_dma2 semaphore(%run_scoped3A_89 : memref<!tpu.dma_semaphore, #tpu.memory_space<semaphore_mem>>) src(%dma_wait3A_99 : memref<624x128xf32, #tpu.memory_space<vmem_shared>>) dst(%dma_wait3A_97 : memref<624x128xf32, #tpu.memory_space<hbm>>)
      tpu.yield
    }) : () -> ()
    %eq3A_84 = arith.constant 15 : i32
    %eq3A_85 = arith.cmpi eq, %arg1, %eq3A_84 : i32
    %convert_element_type3A_86 = arith.extui %eq3A_85 : i1 to i32
    %cond3A_87 = arith.constant 0 : i32
    %cond3A_88 = arith.cmpi ne, %convert_element_type3A_86, %cond3A_87 : i32
    scf.if %cond3A_88 {
      "tpu.region"() ({
        %run_scoped3A_89 = tpu.sem_alloc : memref<!tpu.dma_semaphore, #tpu.memory_space<semaphore_mem>>
        %dma_start3A_90 = arith.constant 9984 : i32
        %dma_start3A_91 = arith.constant 0 : i32
        %dma_start3A_92 = tpu.memref_slice %arg6[%arg0, %dma_start3A_90, %dma_start3A_91] : memref<2x10000x128xf32, #tpu.memory_space<hbm>> -> memref<1x16x128xf32, #tpu.memory_space<hbm>>
        %dma_start3A_93 = tpu.memref_squeeze %dma_start3A_92 : memref<1x16x128xf32, #tpu.memory_space<hbm>> -> memref<16x128xf32, #tpu.memory_space<hbm>>
        %dma_start3A_94 = arith.constant 9984 : i32
        %dma_start3A_95 = arith.constant 0 : i32
        %dma_start3A_96 = tpu.memref_slice %arg10[%dma_start3A_94, %dma_start3A_95] : memref<10000x128xf32, #tpu.memory_space<vmem_shared>> -> memref<16x128xf32, #tpu.memory_space<vmem_shared>>
        tpu.enqueue_dma source(%dma_start3A_96 : memref<16x128xf32, #tpu.memory_space<vmem_shared>>) target(%dma_start3A_93 : memref<16x128xf32, #tpu.memory_space<hbm>>) target_semaphore(%run_scoped3A_89 : memref<!tpu.dma_semaphore, #tpu.memory_space<semaphore_mem>>)
        %dma_wait3A_97 = arith.constant 9984 : i32
        %dma_wait3A_98 = arith.constant 0 : i32
        %dma_wait3A_99 = tpu.memref_slice %arg6[%arg0, %dma_wait3A_97, %dma_wait3A_98] : memref<2x10000x128xf32, #tpu.memory_space<hbm>> -> memref<1x16x128xf32, #tpu.memory_space<hbm>>
        %dma_wait3A_100 = tpu.memref_squeeze %dma_wait3A_99 : memref<1x16x128xf32, #tpu.memory_space<hbm>> -> memref<16x128xf32, #tpu.memory_space<hbm>>
        %dma_wait3A_101 = arith.constant 9984 : i32
        %dma_wait3A_102 = arith.constant 0 : i32
        %dma_wait3A_103 = tpu.memref_slice %arg10[%dma_wait3A_101, %dma_wait3A_102] : memref<10000x128xf32, #tpu.memory_space<vmem_shared>> -> memref<16x128xf32, #tpu.memory_space<vmem_shared>>
        tpu.wait_dma2 semaphore(%run_scoped3A_89 : memref<!tpu.dma_semaphore, #tpu.memory_space<semaphore_mem>>) src(%dma_wait3A_103 : memref<16x128xf32, #tpu.memory_space<vmem_shared>>) dst(%dma_wait3A_100 : memref<16x128xf32, #tpu.memory_space<hbm>>)
        tpu.yield
      }) : () -> ()
    } else {
    }
    return
  }
}

module attributes {stable_mosaic.version = 14 : i64} {
  func.func @_mm1_body(%arg0: i32, %arg1: memref<5000x128xf32, #tpu.memory_space<vmem>>, %arg2: memref<128x128xf32, #tpu.memory_space<vmem>>, %arg3: memref<5000x128xf32, #tpu.memory_space<vmem>>) attributes {dimension_semantics = [#tpu.dimension_semantics<arbitrary>], iteration_bounds = array<i64: 2>, scalar_prefetch = 0 : i64, scratch_operands = 0 : i64, tpu.core_type = #tpu.core_type<tc>, window_params = [{transform_indices = @transform_0, window_bounds = array<i64: 5000, 128>}, {pipeline_mode = #tpu.pipeline_mode<synchronous>, transform_indices = @transform_1, window_bounds = array<i64: 128, 128>}, {transform_indices = @transform_2, window_bounds = array<i64: 5000, 128>}]} {
    %get3A = arith.constant 0 : index
    %get3A_0 = arith.constant 0 : index
    %get3A_1 = vector.load %arg1[%get3A, %get3A_0] : memref<5000x128xf32, #tpu.memory_space<vmem>>, vector<5000x128xf32>
    %get3A_2 = arith.constant 0 : index
    %get3A_3 = arith.constant 0 : index
    %get3A_4 = vector.load %arg2[%get3A_2, %get3A_3] : memref<128x128xf32, #tpu.memory_space<vmem>>, vector<128x128xf32>
    %dot_general3A = arith.constant dense<0.000000e+00> : vector<5000x128xf32>
    %dot_general3A_5 = tpu.matmul %get3A_1, %get3A_4, %dot_general3A {dimension_numbers = #tpu.dot_dimension_numbers<[1], [0], [0], [1], [0, 0, 1, 1], [], []>, transpose_lhs_hint = false} : vector<5000x128xf32>, vector<128x128xf32>, vector<5000x128xf32> -> vector<5000x128xf32>
    %swap3A = arith.constant 0 : index
    %swap3A_6 = arith.constant 0 : index
    %swap3A_7 = vector.load %arg3[%swap3A, %swap3A_6] : memref<5000x128xf32, #tpu.memory_space<vmem>>, vector<5000x128xf32>
    tpu.vector_store %arg3[%swap3A, %swap3A_6], %dot_general3A_5 {strides = array<i32>} : memref<5000x128xf32, #tpu.memory_space<vmem>>, vector<5000x128xf32>,
    return
  }
  func.func @transform_0(%arg0: i32) -> (i32, i32) {
    %c0_i32 = arith.constant 0 : i32
    %c0_i32_0 = arith.constant 0 : i32
    return %arg0, %c0_i32 : i32, i32
  }
  func.func @transform_1(%arg0: i32) -> (i32, i32) {
    %c0_i32 = arith.constant 0 : i32
    %c0_i32_0 = arith.constant 0 : i32
    %c0_i32_1 = arith.constant 0 : i32
    return %c0_i32, %c0_i32_0 : i32, i32
  }
  func.func @transform_2(%arg0: i32) -> (i32, i32) {
    %c0_i32 = arith.constant 0 : i32
    %c0_i32_0 = arith.constant 0 : i32
    return %arg0, %c0_i32 : i32, i32
  }
}

module attributes {stable_mosaic.version = 14 : i64} {
  func.func @_mid_body(%arg0: i32, %arg1: memref<2x5000x128xf32, #tpu.memory_space<vmem>>, %arg2: memref<1x128xf32, #tpu.memory_space<vmem>>, %arg3: memref<128x128xf32, #tpu.memory_space<vmem>>, %arg4: memref<5000x128xf32, #tpu.memory_space<vmem>>) attributes {dimension_semantics = [#tpu.dimension_semantics<arbitrary>], iteration_bounds = array<i64: 2>, scalar_prefetch = 0 : i64, scratch_operands = 0 : i64, tpu.core_type = #tpu.core_type<tc>, window_params = [{transform_indices = @transform_0, window_bounds = array<i64: 2, 5000, 128>}, {pipeline_mode = #tpu.pipeline_mode<synchronous>, transform_indices = @transform_1, window_bounds = array<i64: 1, 128>}, {pipeline_mode = #tpu.pipeline_mode<synchronous>, transform_indices = @transform_2, window_bounds = array<i64: 128, 128>}, {transform_indices = @transform_3, window_bounds = array<i64: 5000, 128>}]} {
    %get3A = arith.constant 0 : index
    %get3A_0 = arith.constant 0 : index
    %get3A_1 = arith.constant 0 : index
    %get3A_2 = vector.load %arg1[%get3A, %get3A_0, %get3A_1] : memref<2x5000x128xf32, #tpu.memory_space<vmem>>, vector<1x5000x128xf32>
    %get3A_3 = vector.shape_cast %get3A_2 : vector<1x5000x128xf32> to vector<5000x128xf32>
    %get3A_4 = arith.constant 1 : index
    %get3A_5 = arith.constant 0 : index
    %get3A_6 = arith.constant 0 : index
    %get3A_7 = vector.load %arg1[%get3A_4, %get3A_5, %get3A_6] : memref<2x5000x128xf32, #tpu.memory_space<vmem>>, vector<1x5000x128xf32>
    %get3A_8 = vector.shape_cast %get3A_7 : vector<1x5000x128xf32> to vector<5000x128xf32>
    %add3A = arith.addf %get3A_3, %get3A_8 : vector<5000x128xf32>
    %get3A_9 = arith.constant 0 : index
    %get3A_10 = arith.constant 0 : index
    %get3A_11 = vector.load %arg2[%get3A_9, %get3A_10] : memref<1x128xf32, #tpu.memory_space<vmem>>, vector<1x128xf32>
    %add3A_12 = vector.broadcast %get3A_11 : vector<1x128xf32> to vector<5000x128xf32>
    %add3A_13 = arith.addf %add3A, %add3A_12 : vector<5000x128xf32>
    %max3A = arith.constant 0.000000e+00 : f32
    %max3A_14 = vector.broadcast %max3A : f32 to vector<5000x128xf32>
    %max3A_15 = arith.maximumf %add3A_13, %max3A_14 : vector<5000x128xf32>
    %get3A_16 = arith.constant 0 : index
    %get3A_17 = arith.constant 0 : index
    %get3A_18 = vector.load %arg3[%get3A_16, %get3A_17] : memref<128x128xf32, #tpu.memory_space<vmem>>, vector<128x128xf32>
    %dot_general3A = arith.constant dense<0.000000e+00> : vector<5000x128xf32>
    %dot_general3A_19 = tpu.matmul %max3A_15, %get3A_18, %dot_general3A {dimension_numbers = #tpu.dot_dimension_numbers<[1], [0], [0], [1], [0, 0, 1, 1], [], []>, transpose_lhs_hint = false} : vector<5000x128xf32>, vector<128x128xf32>, vector<5000x128xf32> -> vector<5000x128xf32>
    %swap3A = arith.constant 0 : index
    %swap3A_20 = arith.constant 0 : index
    %swap3A_21 = vector.load %arg4[%swap3A, %swap3A_20] : memref<5000x128xf32, #tpu.memory_space<vmem>>, vector<5000x128xf32>
    tpu.vector_store %arg4[%swap3A, %swap3A_20], %dot_general3A_19 {strides = array<i32>} : memref<5000x128xf32, #tpu.memory_space<vmem>>, vector<5000x128xf32>,
    return
  }
  func.func @transform_0(%arg0: i32) -> (i32, i32, i32) {
    %c0_i32 = arith.constant 0 : i32
    %c0_i32_0 = arith.constant 0 : i32
    %c0_i32_1 = arith.constant 0 : i32
    return %c0_i32, %arg0, %c0_i32_0 : i32, i32, i32
  }
  func.func @transform_1(%arg0: i32) -> (i32, i32) {
    %c0_i32 = arith.constant 0 : i32
    %c0_i32_0 = arith.constant 0 : i32
    %c0_i32_1 = arith.constant 0 : i32
    return %c0_i32, %c0_i32_0 : i32, i32
  }
  func.func @transform_2(%arg0: i32) -> (i32, i32) {
    %c0_i32 = arith.constant 0 : i32
    %c0_i32_0 = arith.constant 0 : i32
    %c0_i32_1 = arith.constant 0 : i32
    return %c0_i32, %c0_i32_0 : i32, i32
  }
  func.func @transform_3(%arg0: i32) -> (i32, i32) {
    %c0_i32 = arith.constant 0 : i32
    %c0_i32_0 = arith.constant 0 : i32
    return %arg0, %c0_i32 : i32, i32
  }
}

module attributes {stable_mosaic.version = 14 : i64} {
  func.func @_fin_body(%arg0: i32, %arg1: memref<2x5000x128xf32, #tpu.memory_space<vmem>>, %arg2: memref<1x128xf32, #tpu.memory_space<vmem>>, %arg3: memref<5000x128xf32, #tpu.memory_space<vmem>>) attributes {dimension_semantics = [#tpu.dimension_semantics<arbitrary>], iteration_bounds = array<i64: 2>, scalar_prefetch = 0 : i64, scratch_operands = 0 : i64, tpu.core_type = #tpu.core_type<tc>, window_params = [{transform_indices = @transform_0, window_bounds = array<i64: 2, 5000, 128>}, {pipeline_mode = #tpu.pipeline_mode<synchronous>, transform_indices = @transform_1, window_bounds = array<i64: 1, 128>}, {transform_indices = @transform_2, window_bounds = array<i64: 5000, 128>}]} {
    %get3A = arith.constant 0 : index
    %get3A_0 = arith.constant 0 : index
    %get3A_1 = arith.constant 0 : index
    %get3A_2 = vector.load %arg1[%get3A, %get3A_0, %get3A_1] : memref<2x5000x128xf32, #tpu.memory_space<vmem>>, vector<1x5000x128xf32>
    %get3A_3 = vector.shape_cast %get3A_2 : vector<1x5000x128xf32> to vector<5000x128xf32>
    %get3A_4 = arith.constant 1 : index
    %get3A_5 = arith.constant 0 : index
    %get3A_6 = arith.constant 0 : index
    %get3A_7 = vector.load %arg1[%get3A_4, %get3A_5, %get3A_6] : memref<2x5000x128xf32, #tpu.memory_space<vmem>>, vector<1x5000x128xf32>
    %get3A_8 = vector.shape_cast %get3A_7 : vector<1x5000x128xf32> to vector<5000x128xf32>
    %add3A = arith.addf %get3A_3, %get3A_8 : vector<5000x128xf32>
    %get3A_9 = arith.constant 0 : index
    %get3A_10 = arith.constant 0 : index
    %get3A_11 = vector.load %arg2[%get3A_9, %get3A_10] : memref<1x128xf32, #tpu.memory_space<vmem>>, vector<1x128xf32>
    %add3A_12 = vector.broadcast %get3A_11 : vector<1x128xf32> to vector<5000x128xf32>
    %add3A_13 = arith.addf %add3A, %add3A_12 : vector<5000x128xf32>
    %swap3A = arith.constant 0 : index
    %swap3A_14 = arith.constant 0 : index
    %swap3A_15 = vector.load %arg3[%swap3A, %swap3A_14] : memref<5000x128xf32, #tpu.memory_space<vmem>>, vector<5000x128xf32>
    tpu.vector_store %arg3[%swap3A, %swap3A_14], %add3A_13 {strides = array<i32>} : memref<5000x128xf32, #tpu.memory_space<vmem>>, vector<5000x128xf32>,
    return
  }
  func.func @transform_0(%arg0: i32) -> (i32, i32, i32) {
    %c0_i32 = arith.constant 0 : i32
    %c0_i32_0 = arith.constant 0 : i32
    %c0_i32_1 = arith.constant 0 : i32
    return %c0_i32, %arg0, %c0_i32_0 : i32, i32, i32
  }
  func.func @transform_1(%arg0: i32) -> (i32, i32) {
    %c0_i32 = arith.constant 0 : i32
    %c0_i32_0 = arith.constant 0 : i32
    %c0_i32_1 = arith.constant 0 : i32
    return %c0_i32, %c0_i32_0 : i32, i32
  }
  func.func @transform_2(%arg0: i32) -> (i32, i32) {
    %c0_i32 = arith.constant 0 : i32
    %c0_i32_0 = arith.constant 0 : i32
    return %arg0, %c0_i32 : i32, i32
  }
}

</mosaic_0001>

<sc_bundles>
// kernel: kernel.10.cloned.1.call-start
scs
__scs_entry_jumppad:
0x0: {  	(pc) =	sbr.rel $0x88, $3  }
0x1: {  	(tag) =	ssettag $0x0;
	lr =	simm.s32 $0x1  }
0x2: {  	[smem:$0x3F9B] =	sst lr;
	_ =	strace $0xD0000000  }
0x3: {  	_ = 	snop  }
0x4: {  	_ = 	snop  }
0x5: {  	_ = 	snop  }
0x6: {  	_ = 	snop  }
0x7: {  	_ = 	snop  }
__scs_overlays_trampoline_lowered:
0x8: {  	[smem:$0x3FAA] =	sst s0  }
0x9: {  	[smem:$0x3FAB] =	sst s1  }
0xa: {  	[smem:$0x3FAC] =	sst s2  }
0xb: {  	[smem:$0x3FAD] =	sst s3  }
0xc: {  	[smem:$0x3FAE] =	sst s4  }
0xd: {  	[smem:$0x3FAF] =	sst s5  }
0xe: {  	[smem:$0x3FB0] =	sst s6  }
0xf: {  	[smem:$0x3FB1] =	sst s7  }
0x10: {  	[smem:$0x3FB2] =	sst s8  }
0x11: {  	[smem:$0x3FB3] =	sst s9;
	s0 =	simm.s32 @!p0 $0x0  }
0x12: {  	s1 =	sld [smem:$0x3F99];
	s0 =	simm.s32 @p0 $0x1  }
0x13: {  	[smem:$0x3FB4] =	sst s0;
	s0 =	simm.s32 @!p1 $0x0  }
0x14: {  	s2 =	sld [smem:$0x3F98];
	s0 =	simm.s32 @p1 $0x1  }
0x15: {  	[smem:$0x3FB5] =	sst s0;
	s0 =	simm.s32 @!p2 $0x0  }
0x16: {  	s3 =	sld [smem:$0x3FDB];
	s0 =	simm.s32 @p2 $0x1  }
0x17: {  	s4 =	simm.s32 $0x1BF5;
	[smem:$0x3FB7] =	sst s0  }
0x18: {  	s0 =	sld [smem:$0x3F9A];
	_ =	swait.ge [sflag:s4], $0x0  }
0x19: {  	s7 =	sld [smem:$0x3F9B]  }
0x1a: {  	s8 =	sadd.s32 $0xFFFFE003, lr  }
0x1b: {  	s9 =	sadd.s32 $0xFFFFFEF7, lr;
	s5 =	simm.s32 $0xFFFFFFFF;
	p2 =	slt.u32 s8, $0xFFFFF086  }
0x1c: {  	p1 =	slt.u32 s9, $0xF7A;
	s5 =	simm.s32 @!p2 $0x0  }
0x1d: {  	s5 =	simm.s32 @p1 $0x1;
	p0 =	seq.s32 s7, s2  }
0x1e: {  	s7 =	smul.u32 @!p0 $0xF7A, s2;
	p2 =	seq.s32 @!p0 s5, $0x0  }
0x1f: {  	s9 =	smul.u32 $0xF7A, s1;
	s8 =	simm.s32 @!p0 $0x1BF5;
	p2 =	por !p2, p0  }
0x20: {  	[sflag:s8] =	ssyncset.s32 @!p0 $0xFFFFF086;
	s6 =	sadd.s32 @!p0 s3, s7;
	s7 =	simm.s32 @!p0 $0x108  }
0x21: {  	s3 =	sadd.s32 s3, s9;
	s6 =	sadd.s32 @!p0 $0x88, s6;
	s7 =	simm.s32 @p2 $0x1082  }
0x22: {  	[simem:s7], [sflag:s8] =	dma.local @!p0 [hbm:s6], $0xF7A  }
0x23: {  	s9 =	sor.u32 $0xD0000000, s2;
	s6 =	simm.s32 $0x108;
	_ =	swait.ge @!p0 [sflag:s8], $0x0  }
0x24: {  	s3 =	sadd.s32 $0x88, s3;
	s6 =	simm.s32 @!p1 $0x1082;
	[sflag:s4] =	ssyncset.s32 $0xFFFFF086  }
0x25: {  	[simem:s6], [sflag:s4] =	dma.local [hbm:s3], $0xF7A  }
0x26: {  	[smem:$0x3F9B] =	sst s1;
	(tag) =	ssettag s2;
	_ =	strace s9  }
0x27: {  	s1 =	sld [smem:$0x3FAB]  }
0x28: {  	s2 =	sld [smem:$0x3FAC]  }
0x29: {  	s4 =	sld [smem:$0x3FAE]  }
0x2a: {  	p0 =	seq.s32 s5, $0x0;
	s5 =	sld [smem:$0x3FAF]  }
0x2b: {  	s6 =	sld [smem:$0x3FB0]  }
0x2c: {  	s7 =	sld [smem:$0x3FB1]  }
0x2d: {  	s3 =	simm.s32 $0x108;
	s8 =	sld [smem:$0x3FB2]  }
0x2e: {  	s3 =	simm.s32 @!p0 $0x1082;
	s9 =	sld [smem:$0x3FB3]  }
0x2f: {  	lr =	sadd.s32 s0, s3;
	s0 =	sld [smem:$0x3FAA]  }
0x30: {  	s3 =	sld [smem:$0x3FAD]  }
0x31: {  	[smem:$0x3FB6] =	sst s10  }
0x32: {  	s10 =	sld [smem:$0x3FB4];
	_ =	sdelay $0x3  }
0x33: {  	p0 =	seq.s32 s10, $0x1;
	s10 =	sld [smem:$0x3FB6];
	_ =	sdelay $0x3  }
0x34: {  	[smem:$0x3FB6] =	sst s10  }
0x35: {  	s10 =	sld [smem:$0x3FB5];
	_ =	sdelay $0x3  }
0x36: {  	p1 =	seq.s32 s10, $0x1;
	s10 =	sld [smem:$0x3FB6];
	_ =	sdelay $0x3  }
0x37: {  	[smem:$0x3FB6] =	sst s10  }
0x38: {  	s10 =	sld [smem:$0x3FB7]  }
0x39: {  	_ = 	snop;
	(pc) =	sbr.ind lr, $3  }
0x3a: {  	_ = 	snop  }
0x3b: {  	_ = 	snop  }
0x3c: {  	p2 =	seq.s32 s10, $0x1;
	s10 =	sld [smem:$0x3FB6]  }
0x3d: {  	_ =	shalt  }
0x3e: {  	_ =	shalt  }
0x3f: {  	_ =	shalt  }
0x40: {  	_ =	shalt  }
0x41: {  	_ =	shalt  }
0x42: {  	_ =	shalt  }
0x43: {  	_ =	shalt  }
0x44: {  	_ =	shalt  }
0x45: {  	_ =	shalt  }
0x46: {  	_ =	shalt  }
0x47: {  	_ =	shalt  }
0x48: {  	_ =	shalt  }
0x49: {  	_ =	shalt  }
0x4a: {  	_ =	shalt  }
0x4b: {  	_ =	shalt  }
0x4c: {  	_ =	shalt  }
0x4d: {  	_ =	shalt  }
0x4e: {  	_ =	shalt  }
0x4f: {  	_ =	shalt  }
0x50: {  	_ =	shalt  }
0x51: {  	_ =	shalt  }
0x52: {  	_ =	shalt  }
0x53: {  	_ =	shalt  }
0x54: {  	_ =	shalt  }
0x55: {  	_ =	shalt  }
0x56: {  	_ =	shalt  }
0x57: {  	_ =	shalt  }
0x58: {  	_ =	shalt  }
0x59: {  	_ =	shalt  }
0x5a: {  	_ =	shalt  }
0x5b: {  	_ =	shalt  }
0x5c: {  	_ =	shalt  }
0x5d: {  	_ =	shalt  }
0x5e: {  	_ =	shalt  }
0x5f: {  	_ =	shalt  }
0x60: {  	_ =	shalt  }
0x61: {  	_ =	shalt  }
0x62: {  	_ =	shalt  }
0x63: {  	_ =	shalt  }
0x64: {  	_ =	shalt  }
0x65: {  	_ =	shalt  }
0x66: {  	_ =	shalt  }
0x67: {  	_ =	shalt  }
0x68: {  	_ =	shalt  }
0x69: {  	_ =	shalt  }
0x6a: {  	_ =	shalt  }
0x6b: {  	_ =	shalt  }
0x6c: {  	_ =	shalt  }
0x6d: {  	_ =	shalt  }
0x6e: {  	_ =	shalt  }
0x6f: {  	_ =	shalt  }
0x70: {  	_ =	shalt  }
0x71: {  	_ =	shalt  }
0x72: {  	_ =	shalt  }
0x73: {  	_ =	shalt  }
0x74: {  	_ =	shalt  }
0x75: {  	_ =	shalt  }
0x76: {  	_ =	shalt  }
0x77: {  	_ =	shalt  }
0x78: {  	_ =	shalt  }
0x79: {  	_ =	shalt  }
0x7a: {  	_ =	shalt  }
0x7b: {  	_ =	shalt  }
0x7c: {  	_ =	shalt  }
0x7d: {  	_ =	shalt  }
0x7e: {  	_ =	shalt  }
0x7f: {  	_ =	shalt  }
0x80: {  	_ =	shalt  }
0x81: {  	_ =	shalt  }
0x82: {  	_ =	shalt  }
0x83: {  	_ =	shalt  }
0x84: {  	_ =	shalt  }
0x85: {  	_ =	shalt  }
0x86: {  	_ =	shalt  }
0x87: {  	_ =	shalt  }
.Lfunc_end0:
.L_simem_size_0:
called_computation.1_lowered:
.L_overlay_start_0:
0x88: {  	s2 =	sld [smem:$0x3FD9]  }
0x89: {  	s3 =	sld [smem:$0x3FFE];
	_ =	sdelay $0x1  }
0x8a: {  	s1 =	srdreg.scid  }
0x8b: {  	s0 =	sand.u32 $0x1, s1  }
0x8c: {  	s17 =	sshll.u32 s0, $0xA;
	s2 =	sadd.s32 s3, s2  }
0x8d: {  	s2 =	sadd.s32 s2, s17  }
0x8e: {  	[smem:$0x3FC2] =	sst s2  }
0x8f: {  	_ = 	snop  }
0x90: {  	s2 =	sld [smem:$0x3FD0];
	(tm) =	ssettm $0x1  }
0x91: {  	s18 =	sld [smem:$0x3FFB];
	_ =	sdelay $0x3  }
0x92: {  	_ =	strace s18  }
0x93: {  	s3 =	sld [smem:$0x3FFC];
	_ =	sdelay $0x3  }
0x94: {  	_ =	strace s3  }
0x95: {  	s3 =	sld [smem:$0x3FFD];
	_ =	sdelay $0x3  }
0x96: {  	_ =	strace s3  }
0x97: {  	_ =	strace $0x8FFFFFFF  }
0x98: {  	s19 =	sld [smem:$0x3FDB];
	_ =	sdelay $0x1  }
0x99: {  	s4 =	simm.s32 $_scs_section_size  }
0x9a: {  	s5 =	simm.s32 $_size__tile_overlayer_lowered;
	s6 =	simm.s32 $_tile_overlayer_lowered  }
0x9b: {  	s22 =	simm.s32 $0x1BFF;
	s21 =	sshll.u32 s6, $0x1;
	s3 =	sadd.s32 s4, s19  }
0x9c: {  	s7 =	simm.s32 $0x0;
	s20 =	sshll.u32 s5, $0x1;
	s5 =	sadd.s32 s21, s3  }
0x9d: {  	[timem:s7], [sflag:s22] =	dma.local [hbm:s5], s20  }
0x9e: {  	_ =	swait.ge [sflag:s22], s20  }
0x9f: {  	s4 =	ssub.s32 $0x0, s20;
	[sflag:s22] =	ssyncset.done $0x0  }
0xa0: {  	[sflag:s22] =	ssyncadd.s32 s4;
	_ =	sdelay $0x1  }
0xa1: {  	s23 =	simm.s32 $0x1B8B  }
0xa2: {  	_ =	swait.ge [sflag:s23], $0x1  }
0xa3: {  	[sflag:s23] =	ssyncset.done $0x0  }
0xa4: {  	s25 =	simm.s32 $0x1B8E;
	s24 =	sld [smem:$0x3FFE];
	[sflag:s23] =	ssyncadd.s32 $0xFFFFFFFF  }
0xa5: {  	s26 =	simm.s32 $execute0_lowered;
	[smem:$0x3FD2] =	sst s25  }
0xa6: {  	s5 =	sshll.u32 s26, $0x1;
	_ =	strace $0x80000049;
	[dreg:$0x1] =	wrdreg $0xFFFFFFFF  }
0xa7: {  	s28 =	simm.s32 $_size_execute0_lowered;
	s3 =	sadd.s32 s3, s5;
	[dreg:$0x0] =	wrdreg $0x0  }
0xa8: {  	s5 =	sshll.u32 s28, $0x1;
	[dreg:$0x2] =	wrdreg s3  }
0xa9: {  	[dreg:$0x3] =	wrdreg s5  }
0xaa: {  	[dreg:$0x4] =	wrdreg $0xC0  }
0xab: {  	_ =	task [dreg:s7], $0x5FFFF  }
0xac: {  	[dreg:$0x1] =	wrdreg $0xFFFFFFFF  }
0xad: {  	[dreg:$0x0] =	wrdreg $0x60  }
0xae: {  	[dreg:$0x2] =	wrdreg s2  }
0xaf: {  	[dreg:$0x3] =	wrdreg s24  }
0xb0: {  	[dreg:$0x4] =	wrdreg $0xA8000  }
0xb1: {  	[dreg:$0x5] =	wrdreg $0x9  }
0xb2: {  	_ =	task.clear_ibuf [dreg:s7], $0x6FFFF;
	_ =	strace $0x90000049  }
0xb3: {  	s29 =	simm.s32 $0x9;
	_ =	strace $0x8000004B  }
0xb4: {  	_ =	swait.ge [sflag:s29], $0x1  }
0xb5: {  	[sflag:s29] =	ssyncadd.s32 $0xFFFFFFFF  }
0xb6: {  	_ =	strace $0x9000004B  }
0xb7: {  	_ =	sfence  }
0xb8: {  	s30 =	sld [smem:$0x0];
	_ =	sdelay $0x2  }
0xb9: {  	s31 =	sshll.u32 s1, $0xD;
	s1 =	sshrl.u32 s1, $0x2  }
0xba: {  	s3 =	sand.u32 $0x4000, s31;
	s1 =	sadd.s32 s1, s30  }
0xbb: {  	s0 =	sor.u32 s3, s0;
	s1 =	sshll.u32 s1, $0x11  }
0xbc: {  	s0 =	sor.u32 s1, s0  }
0xbd: {  	s0 =	sadd.s32 $0x8F2B, s0  }
0xbe: {  	[sflag:s0] =	ssyncadd.remote.s32 $0x1  }
0xbf: {  	_ =	sfence.sel $0xFFFF  }
0xc0: {  	[dreg:$0x0] =	wrdreg $0xFFFFFFFF;
	(pc) =	sbr.abs _section_cstart, $3  }
0xc1: {  	[dreg:$0x1] =	wrdreg $0xFFFFFFFF  }
0xc2: {  	_ =	task.clear_ibuf [dreg:s7], $0x2FFFF;
	_ =	strace $0x9FFFFFFF  }
0xc3: {  	(tm) =	ssettm $0x7FFFFFFF  }
tec
execute0_lowered:
.L_overlay_start_1:
0x0: {  	(tag) =	ssettag $0x1  }
0x1: {  	s1 =	rddreg [dreg:$0x0]  }
0x2: {  	s7 =	rddreg [dreg:$0x1]  }
0x3: {  	s3 =	rddreg [dreg:$0x2];
	s4 =	simm.s32 $0x0;
	s0 =	stileid.u32  }
0x4: {  	s6 =	srdreg.scid;
	s20 =	simm.s32 $0x2800;
	s21 =	simm.s32 $0x1  }
0x5: {  	s22 =	simm.s32 $0x80;
	s23 =	simm.s32 $0x2;
	s24 =	simm.s32 $0x6680  }
0x6: {  	s25 =	simm.s32 $0x2780;
	s26 =	simm.s32 $0x0;
	[smem:$0x7FF] =	sst s4  }
0x7: {  	s10 =	smul.u32 $0x13800, s0;
	s11 =	sadd.s32 $0xB200, s7;
	s12 =	sadd.s32 $0x1200, s7  }
0x8: {  	s8 =	sand.u32 $0x1, s6;
	s13 =	smul.u32 $0x4E000, s0;
	s14 =	sadd.s32 $0x3C400, s7  }
0x9: {  	s29 =	sshll.u32 s0, $0x6;
	s18 =	sadd.s32 $0x138000, s3;
	p0 =	sne.s32 s0, $0xF  }
0xa: {  	_ =	strace $0x8000004A;
	s6 =	ssub.s32 $0x2, s8;
	s9 =	sshll.u32 s8, $0x4  }
0xb: {  	s17 =	smul.u32 $0x138800, s8;
	s5 =	sshrl.u32 s10, $0x3;
	s15 =	sshrl.u32 s6, $0x1  }
0xc: {  	s9 =	sor.u32 s0, s9;
	s28 =	sshrl.u32 s13, $0x2;
	s5 =	sadd.s32 s5, s7  }
0xd: {  	s15 =	ssub.s32 s6, s15;
	s9 =	smul.u32 $0x2800, s9;
	s16 =	sadd.s32 s28, s3  }
0xe: {  	s6 =	sor.u32 $0x1C03, s29;
	s7 =	sadd.s32 $0x3C200, s7;
	s19 =	sadd.s32 s10, s17  }
0xf: {  	s17 =	sshrl.u32 s17, $0x3;
	s5 =	sadd.s32 $0x15200, s5;
	s19 =	sshrl.u32 s19, $0x3  }
0x10: {  	s31 =	sadd.s32 s14, s17;
	s17 =	sshrl.u32 @!p0 s18, $0x3;
	s30 =	sshrl.u32 s9, $0x3  }
0x11: {  	s18 =	simm.s32 $0x1400;
	s8 =	sadd.s32 s11, s30;
	s13 =	sadd.s32 $0x280, s30  }
0x12: {  	s9 =	sadd.s32 s12, s30;
	s10 =	sadd.s32 s11, s13;
	s11 =	sadd.s32 s12, s13  }
0x13: {  	s12 =	sadd.s32 s14, s19;
	s13 =	sadd.s32 $0x27000, s31;
	s14 =	smax.u32 s15, $0x1  }
0x14: {  	s15 =	sshrl.u32 s16, $0x3;
	s16 =	simm.s32 $0x3;
	s19 =	simm.s32 $0x7D  }
.LBB2_1:
0x15: {  	[spmem:s15], [sflag:s6] =	dma.local [hbm:s5], $0x2700  }
0x16: {  	_ =	swait.ge [sflag:s16], $0x2700  }
0x17: {  	[sflag:s16] =	ssyncset.done $0x0  }
0x18: {  	s28 =	simm.s32 @!p0 $0x3;
	[sflag:s16] =	ssyncadd.s32 $0xFFFFD900  }
0x19: {  	[spmem:s17], [sflag:s6] =	dma.local @!p0 [hbm:s7], $0x100  }
0x1a: {  	_ =	swait.ge @!p0 [sflag:s28], $0x100  }
0x1b: {  	[sflag:s28] =	ssyncset.done @!p0 $0x0  }
0x1c: {  	[sflag:s28] =	ssyncadd.s32 @!p0 $0xFFFFFF00  }
0x1d: {  	[bflag:$0x0] =	sbarrier.arrive $0xFFFF  }
0x1e: {  	[tilespmem:s4], [sflag:$0x3] =	stream.linear.gather [hbm4b:s8+s4], $0x1400, $0x38;
	[tilespmem:$0x1E080] =	vst v63  }
0x1f: {  	_ =	swait.ge [sflag:s16], $0x1400  }
0x20: {  	[sflag:s16] =	ssyncset.done $0x0  }
0x21: {  	[sflag:s16] =	ssyncadd.s32 $0xFFFFEC00  }
0x22: {  	[tilespmem:s18], [sflag:$0x3] =	stream.linear.gather [hbm4b:s9+s4], $0x1400, $0x38;
	[tilespmem:$0x1E080] =	vst v63  }
0x23: {  	_ =	swait.ge [sflag:s16], $0x1400  }
0x24: {  	[sflag:s16] =	ssyncset.done $0x0  }
0x25: {  	[sflag:s16] =	ssyncadd.s32 $0xFFFFEC00  }
0x26: {  	[tilespmem:s20], [sflag:$0x1] =	stream.indirect.gather [hbm4b:s1+s19], $0x80, s4, s19, $0xb8;
	[tilespmem:$0x1E080] =	vst v63  }
0x27: {  	_ =	swait.ge [sflag:s21], $0x3E80  }
0x28: {  	[sflag:s21] =	ssyncset.done $0x0  }
0x29: {  	[sflag:s21] =	ssyncadd.s32 $0xFFFFC180  }
0x2a: {  	[tilespmem:s24], [sflag:$0x1] =	stream.indirect.gather [hbm4b:s1+s19], $0x80, s22, s19, $0xb8;
	[tilespmem:$0x1E080] =	vst v63  }
0x2b: {  	_ = 	snop  }
0x2c: {  	[spmem:s3] =	stream.indirect.scatter.add.f32 [tilespmem:s20], [sflag:$0x2], $0x80, s18, s19, $0xb8;
	[tilespmem:$0x1E080] =	vst v63  }
0x2d: {  	_ =	swait.ge [sflag:s21], $0x3E80  }
0x2e: {  	[sflag:s21] =	ssyncset.done $0x0  }
0x2f: {  	[sflag:s21] =	ssyncadd.s32 $0xFFFFC180  }
0x30: {  	s28 =	sand.u32 $0x1, s23;
	_ =	swait.ge [sflag:s23], $0x3E80  }
0x31: {  	s31 =	simm.s32 $0x6680;
	p1 =	seq.s32 s28, $0x1;
	[sflag:s23] =	ssyncset.done $0x0  }
0x32: {  	s28 =	simm.s32 $0x100;
	s31 =	simm.s32 @!p1 $0x2800;
	[sflag:s23] =	ssyncadd.s32 $0xFFFFC180  }
0x33: {  	[tilespmem:s31], [sflag:$0x1] =	stream.indirect.gather [hbm4b:s1+s19], $0x80, s28, s19, $0xb8;
	[tilespmem:$0x1E080] =	vst v63  }
0x34: {  	s29 =	simm.s32 $0x1480  }
0x35: {  	[spmem:s3] =	stream.indirect.scatter.add.f32 [tilespmem:s24], [sflag:$0x2], $0x80, s29, s19, $0xb8;
	[tilespmem:$0x1E080] =	vst v63  }
0x36: {  	_ =	swait.ge [sflag:s21], $0x3E80  }
0x37: {  	s30 =	simm.s32 $0x3;
	[sflag:s21] =	ssyncset.done $0x0  }
.LBB2_2:
0x38: {  	[sflag:s21] =	ssyncadd.s32 $0xFFFFC180;
	s29 =	sadd.s32 $0x80, s29  }
0x39: {  	s28 =	sadd.s32 $0x80, s28;
	s0 =	smov.u32 s30;
	s2 =	smov.u32 s31  }
0x3a: {  	p1 =	sne.s32 s30, $0x27;
	s30 =	sadd.s32 $0x1, s30;
	_ =	swait.ge [sflag:s23], $0x3E80  }
0x3b: {  	s0 =	sand.u32 $0x1, s0;
	[sflag:s23] =	ssyncset.done $0x0  }
0x3c: {  	s31 =	simm.s32 $0x6680;
	p2 =	seq.s32 s0, $0x1;
	[sflag:s23] =	ssyncadd.s32 $0xFFFFC180  }
0x3d: {  	s31 =	simm.s32 @!p2 $0x2800  }
0x3e: {  	[tilespmem:s31], [sflag:$0x1] =	stream.indirect.gather [hbm4b:s1+s19], $0x80, s28, s19, $0xb8;
	[tilespmem:$0x1E080] =	vst v63  }
.Ltmp0:
0x3f: {  	_ = 	snop;
	(pc) =	sbr.rel @p1 .LBB2_2-.Ltmp0, $4  }
0x40: {  	_ = 	snop  }
0x41: {  	[spmem:s3] =	stream.indirect.scatter.add.f32 [tilespmem:s2], [sflag:$0x2], $0x80, s29, s19, $0xb8;
	[tilespmem:$0x1E080] =	vst v63  }
0x42: {  	_ =	swait.ge [sflag:s21], $0x3E80  }
0x43: {  	[sflag:s21] =	ssyncset.done $0x0  }
0x44: {  	[sflag:s21] =	ssyncadd.s32 $0xFFFFC180;
	s0 =	simm.s32 $0x2  }
0x45: {  	[spmem:s3] =	stream.indirect.scatter.add.f32 [tilespmem:s31], [sflag:$0x2], $0x80, s25, s19, $0xb8;
	[tilespmem:$0x1E080] =	vst v63  }
0x46: {  	_ =	swait.ge [sflag:s0], $0x3E80  }
0x47: {  	[sflag:s0] =	ssyncset.done $0x0  }
0x48: {  	[sflag:s0] =	ssyncadd.s32 $0xFFFFC180  }
0x49: {  	_ =	swait.ge [sflag:s0], $0x3E80  }
0x4a: {  	[sflag:s0] =	ssyncset.done $0x0  }
0x4b: {  	[sflag:s0] =	ssyncadd.s32 $0xFFFFC180  }
0x4c: {  	[tilespmem:s4], [sflag:$0x3] =	stream.linear.gather [hbm4b:s10+s4], $0x1400, $0x38;
	[tilespmem:$0x1E080] =	vst v63  }
0x4d: {  	_ =	swait.ge [sflag:s16], $0x1400  }
0x4e: {  	[sflag:s16] =	ssyncset.done $0x0  }
0x4f: {  	[sflag:s16] =	ssyncadd.s32 $0xFFFFEC00  }
0x50: {  	[tilespmem:s18], [sflag:$0x3] =	stream.linear.gather [hbm4b:s11+s4], $0x1400, $0x38;
	[tilespmem:$0x1E080] =	vst v63  }
0x51: {  	_ =	swait.ge [sflag:s16], $0x1400  }
0x52: {  	[sflag:s16] =	ssyncset.done $0x0  }
0x53: {  	[sflag:s16] =	ssyncadd.s32 $0xFFFFEC00  }
0x54: {  	[tilespmem:s20], [sflag:$0x1] =	stream.indirect.gather [hbm4b:s1+s19], $0x80, s4, s19, $0xb8;
	[tilespmem:$0x1E080] =	vst v63  }
0x55: {  	_ =	swait.ge [sflag:s21], $0x3E80  }
0x56: {  	[sflag:s21] =	ssyncset.done $0x0  }
0x57: {  	s2 =	simm.s32 $0x6680;
	[sflag:s21] =	ssyncadd.s32 $0xFFFFC180  }
0x58: {  	[tilespmem:s2], [sflag:$0x1] =	stream.indirect.gather [hbm4b:s1+s19], $0x80, s22, s19, $0xb8;
	[tilespmem:$0x1E080] =	vst v63  }
0x59: {  	_ = 	snop  }
0x5a: {  	[spmem:s3] =	stream.indirect.scatter.add.f32 [tilespmem:s20], [sflag:$0x2], $0x80, s18, s19, $0xb8;
	[tilespmem:$0x1E080] =	vst v63  }
0x5b: {  	_ =	swait.ge [sflag:s21], $0x3E80  }
0x5c: {  	[sflag:s21] =	ssyncset.done $0x0  }
0x5d: {  	[sflag:s21] =	ssyncadd.s32 $0xFFFFC180  }
0x5e: {  	s0 =	sand.u32 $0x1, s0;
	_ =	swait.ge [sflag:s23], $0x3E80  }
0x5f: {  	s31 =	simm.s32 $0x6680;
	p1 =	seq.s32 s0, $0x1;
	[sflag:s23] =	ssyncset.done $0x0  }
0x60: {  	s28 =	simm.s32 $0x100;
	s31 =	simm.s32 @!p1 $0x2800;
	[sflag:s23] =	ssyncadd.s32 $0xFFFFC180  }
0x61: {  	[tilespmem:s31], [sflag:$0x1] =	stream.indirect.gather [hbm4b:s1+s19], $0x80, s28, s19, $0xb8;
	[tilespmem:$0x1E080] =	vst v63  }
0x62: {  	s29 =	simm.s32 $0x1480  }
0x63: {  	[spmem:s3] =	stream.indirect.scatter.add.f32 [tilespmem:s2], [sflag:$0x2], $0x80, s29, s19, $0xb8;
	[tilespmem:$0x1E080] =	vst v63  }
0x64: {  	_ =	swait.ge [sflag:s21], $0x3E80  }
0x65: {  	s30 =	simm.s32 $0x3;
	[sflag:s21] =	ssyncset.done $0x0  }
.LBB2_4:
0x66: {  	[sflag:s21] =	ssyncadd.s32 $0xFFFFC180;
	s29 =	sadd.s32 $0x80, s29  }
0x67: {  	s28 =	sadd.s32 $0x80, s28;
	s0 =	smov.u32 s30;
	s2 =	smov.u32 s31  }
0x68: {  	p1 =	sne.s32 s30, $0x27;
	s30 =	sadd.s32 $0x1, s30;
	_ =	swait.ge [sflag:s23], $0x3E80  }
0x69: {  	s0 =	sand.u32 $0x1, s0;
	[sflag:s23] =	ssyncset.done $0x0  }
0x6a: {  	s31 =	simm.s32 $0x6680;
	p2 =	seq.s32 s0, $0x1;
	[sflag:s23] =	ssyncadd.s32 $0xFFFFC180  }
0x6b: {  	s31 =	simm.s32 @!p2 $0x2800  }
0x6c: {  	[tilespmem:s31], [sflag:$0x1] =	stream.indirect.gather [hbm4b:s1+s19], $0x80, s28, s19, $0xb8;
	[tilespmem:$0x1E080] =	vst v63  }
.Ltmp1:
0x6d: {  	_ = 	snop;
	(pc) =	sbr.rel @p1 .LBB2_4-.Ltmp1, $4  }
0x6e: {  	_ = 	snop  }
0x6f: {  	[spmem:s3] =	stream.indirect.scatter.add.f32 [tilespmem:s2], [sflag:$0x2], $0x80, s29, s19, $0xb8;
	[tilespmem:$0x1E080] =	vst v63  }
0x70: {  	_ =	swait.ge [sflag:s21], $0x3E80  }
0x71: {  	[sflag:s21] =	ssyncset.done $0x0  }
0x72: {  	[sflag:s21] =	ssyncadd.s32 $0xFFFFC180  }
0x73: {  	[spmem:s3] =	stream.indirect.scatter.add.f32 [tilespmem:s31], [sflag:$0x2], $0x80, s25, s19, $0xb8;
	[tilespmem:$0x1E080] =	vst v63  }
0x74: {  	_ =	swait.ge [sflag:s23], $0x3E80  }
0x75: {  	[sflag:s23] =	ssyncset.done $0x0  }
0x76: {  	[sflag:s23] =	ssyncadd.s32 $0xFFFFC180  }
0x77: {  	_ =	swait.ge [sflag:s23], $0x3E80  }
0x78: {  	[sflag:s23] =	ssyncset.done $0x0  }
0x79: {  	[sflag:s23] =	ssyncadd.s32 $0xFFFFC180  }
0x7a: {  	[bflag:$0x0] =	sbarrier.arrive $0xFFFF  }
0x7b: {  	[hbm:s12], [sflag:s6] =	dma.local [spmem:s15], $0x2700  }
0x7c: {  	s26 =	sadd.s32 $0x1, s26;
	_ =	swait.ge [sflag:s16], $0x2700  }
0x7d: {  	p1 =	sne.s32 s26, s14;
	[sflag:s16] =	ssyncset.done $0x0  }
.Ltmp2:
0x7e: {  	s0 =	simm.s32 @!p0 $0x3;
	[sflag:s16] =	ssyncadd.s32 $0xFFFFD900;
	(pc) =	sbr.rel @p1 .LBB2_1-.Ltmp2, $4  }
0x7f: {  	[hbm:s13], [sflag:s6] =	dma.local @!p0 [spmem:s17], $0x100  }
0x80: {  	_ =	swait.ge @!p0 [sflag:s0], $0x100  }
0x81: {  	[sflag:s0] =	ssyncset.done @!p0 $0x0  }
0x82: {  	[sflag:s0] =	ssyncadd.s32 @!p0 $0xFFFFFF00  }
0x83: {  	_ =	sfence.sel $0x180000  }
0x84: {  	[bflag:$0x0] =	sbarrier.arrive $0xFFFF  }
0x85: {  	_ =	strace $0x9000004A  }
0x86: {  	s0 =	stileid.u32;
	[bflag:$0x2] =	sbarrier.arrive $0xFFFF  }
0x87: {  	p0 =	sne.s32 s0, $0x0;
	s0 =	rddreg [dreg:$0x3]  }
0x88: {  	s0 =	sadd.s32 @!p0 $0x100000, s0  }
0x89: {  	[sflag:s0] =	ssyncadd.tile.s32 @!p0 $0x1;
	_ =	shalt  }
.Lfunc_end2:
_tile_overlayer_lowered:
.L_overlay_start_2:
0x8a: {  	(tag) =	ssettag $0x2  }
0x8b: {  	s0 =	rddreg [dreg:$0x0];
	s2 =	stileid.u32  }
0x8c: {  	s1 =	rddreg [dreg:$0x1];
	p0 =	sne.s32 s2, $0x0  }
0x8d: {  	s3 =	rddreg [dreg:$0x2];
	[bflag:$0x3] =	sbarrier.arrive $0xFFFF;
	s2 =	simm.s32 @!p0 $0x1C03  }
0x8e: {  	[timem:s3], [sflag:s2] =	dma.local @!p0 [hbm:s0], s1  }
0x8f: {  	s0 =	simm.s32 @!p0 $0x3  }
0x90: {  	_ =	swait.ge @!p0 [sflag:s0], s1  }
0x91: {  	s1 =	ssub.s32 @!p0 $0x0, s1;
	[sflag:s0] =	ssyncset.done @!p0 $0x0  }
0x92: {  	[sflag:s0] =	ssyncadd.s32 @!p0 s1  }
0x93: {  	[bflag:$0x3] =	sbarrier.arrive $0xFFFF  }
0x94: {  	_ =	shalt  }

// kernel: kernel.7.cloned.1.call-start
scs
__scs_entry_jumppad:
0x0: {  	(pc) =	sbr.rel $0x88, $3  }
0x1: {  	(tag) =	ssettag $0x0;
	lr =	simm.s32 $0x1  }
0x2: {  	[smem:$0x3F9B] =	sst lr;
	_ =	strace $0xD0000000  }
0x3: {  	_ = 	snop  }
0x4: {  	_ = 	snop  }
0x5: {  	_ = 	snop  }
0x6: {  	_ = 	snop  }
0x7: {  	_ = 	snop  }
__scs_overlays_trampoline_lowered:
0x8: {  	[smem:$0x3FAA] =	sst s0  }
0x9: {  	[smem:$0x3FAB] =	sst s1  }
0xa: {  	[smem:$0x3FAC] =	sst s2  }
0xb: {  	[smem:$0x3FAD] =	sst s3  }
0xc: {  	[smem:$0x3FAE] =	sst s4  }
0xd: {  	[smem:$0x3FAF] =	sst s5  }
0xe: {  	[smem:$0x3FB0] =	sst s6  }
0xf: {  	[smem:$0x3FB1] =	sst s7  }
0x10: {  	[smem:$0x3FB2] =	sst s8  }
0x11: {  	[smem:$0x3FB3] =	sst s9;
	s0 =	simm.s32 @!p0 $0x0  }
0x12: {  	s1 =	sld [smem:$0x3F99];
	s0 =	simm.s32 @p0 $0x1  }
0x13: {  	[smem:$0x3FB4] =	sst s0;
	s0 =	simm.s32 @!p1 $0x0  }
0x14: {  	s2 =	sld [smem:$0x3F98];
	s0 =	simm.s32 @p1 $0x1  }
0x15: {  	[smem:$0x3FB5] =	sst s0;
	s0 =	simm.s32 @!p2 $0x0  }
0x16: {  	s3 =	sld [smem:$0x3FDB];
	s0 =	simm.s32 @p2 $0x1  }
0x17: {  	s4 =	simm.s32 $0x1BF5;
	[smem:$0x3FB7] =	sst s0  }
0x18: {  	s0 =	sld [smem:$0x3F9A];
	_ =	swait.ge [sflag:s4], $0x0  }
0x19: {  	s7 =	sld [smem:$0x3F9B]  }
0x1a: {  	s8 =	sadd.s32 $0xFFFFE003, lr  }
0x1b: {  	s9 =	sadd.s32 $0xFFFFFEF7, lr;
	s5 =	simm.s32 $0xFFFFFFFF;
	p2 =	slt.u32 s8, $0xFFFFF086  }
0x1c: {  	p1 =	slt.u32 s9, $0xF7A;
	s5 =	simm.s32 @!p2 $0x0  }
0x1d: {  	s5 =	simm.s32 @p1 $0x1;
	p0 =	seq.s32 s7, s2  }
0x1e: {  	s7 =	smul.u32 @!p0 $0xF7A, s2;
	p2 =	seq.s32 @!p0 s5, $0x0  }
0x1f: {  	s9 =	smul.u32 $0xF7A, s1;
	s8 =	simm.s32 @!p0 $0x1BF5;
	p2 =	por !p2, p0  }
0x20: {  	[sflag:s8] =	ssyncset.s32 @!p0 $0xFFFFF086;
	s6 =	sadd.s32 @!p0 s3, s7;
	s7 =	simm.s32 @!p0 $0x108  }
0x21: {  	s3 =	sadd.s32 s3, s9;
	s6 =	sadd.s32 @!p0 $0x88, s6;
	s7 =	simm.s32 @p2 $0x1082  }
0x22: {  	[simem:s7], [sflag:s8] =	dma.local @!p0 [hbm:s6], $0xF7A  }
0x23: {  	s9 =	sor.u32 $0xD0000000, s2;
	s6 =	simm.s32 $0x108;
	_ =	swait.ge @!p0 [sflag:s8], $0x0  }
0x24: {  	s3 =	sadd.s32 $0x88, s3;
	s6 =	simm.s32 @!p1 $0x1082;
	[sflag:s4] =	ssyncset.s32 $0xFFFFF086  }
0x25: {  	[simem:s6], [sflag:s4] =	dma.local [hbm:s3], $0xF7A  }
0x26: {  	[smem:$0x3F9B] =	sst s1;
	(tag) =	ssettag s2;
	_ =	strace s9  }
0x27: {  	s1 =	sld [smem:$0x3FAB]  }
0x28: {  	s2 =	sld [smem:$0x3FAC]  }
0x29: {  	s4 =	sld [smem:$0x3FAE]  }
0x2a: {  	p0 =	seq.s32 s5, $0x0;
	s5 =	sld [smem:$0x3FAF]  }
0x2b: {  	s6 =	sld [smem:$0x3FB0]  }
0x2c: {  	s7 =	sld [smem:$0x3FB1]  }
0x2d: {  	s3 =	simm.s32 $0x108;
	s8 =	sld [smem:$0x3FB2]  }
0x2e: {  	s3 =	simm.s32 @!p0 $0x1082;
	s9 =	sld [smem:$0x3FB3]  }
0x2f: {  	lr =	sadd.s32 s0, s3;
	s0 =	sld [smem:$0x3FAA]  }
0x30: {  	s3 =	sld [smem:$0x3FAD]  }
0x31: {  	[smem:$0x3FB6] =	sst s10  }
0x32: {  	s10 =	sld [smem:$0x3FB4];
	_ =	sdelay $0x3  }
0x33: {  	p0 =	seq.s32 s10, $0x1;
	s10 =	sld [smem:$0x3FB6];
	_ =	sdelay $0x3  }
0x34: {  	[smem:$0x3FB6] =	sst s10  }
0x35: {  	s10 =	sld [smem:$0x3FB5];
	_ =	sdelay $0x3  }
0x36: {  	p1 =	seq.s32 s10, $0x1;
	s10 =	sld [smem:$0x3FB6];
	_ =	sdelay $0x3  }
0x37: {  	[smem:$0x3FB6] =	sst s10  }
0x38: {  	s10 =	sld [smem:$0x3FB7]  }
0x39: {  	_ = 	snop;
	(pc) =	sbr.ind lr, $3  }
0x3a: {  	_ = 	snop  }
0x3b: {  	_ = 	snop  }
0x3c: {  	p2 =	seq.s32 s10, $0x1;
	s10 =	sld [smem:$0x3FB6]  }
0x3d: {  	_ =	shalt  }
0x3e: {  	_ =	shalt  }
0x3f: {  	_ =	shalt  }
0x40: {  	_ =	shalt  }
0x41: {  	_ =	shalt  }
0x42: {  	_ =	shalt  }
0x43: {  	_ =	shalt  }
0x44: {  	_ =	shalt  }
0x45: {  	_ =	shalt  }
0x46: {  	_ =	shalt  }
0x47: {  	_ =	shalt  }
0x48: {  	_ =	shalt  }
0x49: {  	_ =	shalt  }
0x4a: {  	_ =	shalt  }
0x4b: {  	_ =	shalt  }
0x4c: {  	_ =	shalt  }
0x4d: {  	_ =	shalt  }
0x4e: {  	_ =	shalt  }
0x4f: {  	_ =	shalt  }
0x50: {  	_ =	shalt  }
0x51: {  	_ =	shalt  }
0x52: {  	_ =	shalt  }
0x53: {  	_ =	shalt  }
0x54: {  	_ =	shalt  }
0x55: {  	_ =	shalt  }
0x56: {  	_ =	shalt  }
0x57: {  	_ =	shalt  }
0x58: {  	_ =	shalt  }
0x59: {  	_ =	shalt  }
0x5a: {  	_ =	shalt  }
0x5b: {  	_ =	shalt  }
0x5c: {  	_ =	shalt  }
0x5d: {  	_ =	shalt  }
0x5e: {  	_ =	shalt  }
0x5f: {  	_ =	shalt  }
0x60: {  	_ =	shalt  }
0x61: {  	_ =	shalt  }
0x62: {  	_ =	shalt  }
0x63: {  	_ =	shalt  }
0x64: {  	_ =	shalt  }
0x65: {  	_ =	shalt  }
0x66: {  	_ =	shalt  }
0x67: {  	_ =	shalt  }
0x68: {  	_ =	shalt  }
0x69: {  	_ =	shalt  }
0x6a: {  	_ =	shalt  }
0x6b: {  	_ =	shalt  }
0x6c: {  	_ =	shalt  }
0x6d: {  	_ =	shalt  }
0x6e: {  	_ =	shalt  }
0x6f: {  	_ =	shalt  }
0x70: {  	_ =	shalt  }
0x71: {  	_ =	shalt  }
0x72: {  	_ =	shalt  }
0x73: {  	_ =	shalt  }
0x74: {  	_ =	shalt  }
0x75: {  	_ =	shalt  }
0x76: {  	_ =	shalt  }
0x77: {  	_ =	shalt  }
0x78: {  	_ =	shalt  }
0x79: {  	_ =	shalt  }
0x7a: {  	_ =	shalt  }
0x7b: {  	_ =	shalt  }
0x7c: {  	_ =	shalt  }
0x7d: {  	_ =	shalt  }
0x7e: {  	_ =	shalt  }
0x7f: {  	_ =	shalt  }
0x80: {  	_ =	shalt  }
0x81: {  	_ =	shalt  }
0x82: {  	_ =	shalt  }
0x83: {  	_ =	shalt  }
0x84: {  	_ =	shalt  }
0x85: {  	_ =	shalt  }
0x86: {  	_ =	shalt  }
0x87: {  	_ =	shalt  }
.Lfunc_end0:
.L_simem_size_0:
called_computation_lowered:
.L_overlay_start_0:
0x88: {  	s2 =	sld [smem:$0x3FD9]  }
0x89: {  	s3 =	sld [smem:$0x3FFE];
	_ =	sdelay $0x1  }
0x8a: {  	s1 =	srdreg.scid  }
0x8b: {  	s0 =	sand.u32 $0x1, s1  }
0x8c: {  	s17 =	sshll.u32 s0, $0xA;
	s2 =	sadd.s32 s3, s2  }
0x8d: {  	s2 =	sadd.s32 s2, s17  }
0x8e: {  	[smem:$0x3FC2] =	sst s2  }
0x8f: {  	_ = 	snop  }
0x90: {  	s2 =	sld [smem:$0x3FD0];
	(tm) =	ssettm $0x1  }
0x91: {  	s18 =	sld [smem:$0x3FFB];
	_ =	sdelay $0x3  }
0x92: {  	_ =	strace s18  }
0x93: {  	s3 =	sld [smem:$0x3FFC];
	_ =	sdelay $0x3  }
0x94: {  	_ =	strace s3  }
0x95: {  	s3 =	sld [smem:$0x3FFD];
	_ =	sdelay $0x3  }
0x96: {  	_ =	strace s3  }
0x97: {  	_ =	strace $0x8FFFFFFF  }
0x98: {  	s19 =	sld [smem:$0x3FDB];
	_ =	sdelay $0x1  }
0x99: {  	s4 =	simm.s32 $_scs_section_size  }
0x9a: {  	s5 =	simm.s32 $_size__tile_overlayer_lowered;
	s6 =	simm.s32 $_tile_overlayer_lowered  }
0x9b: {  	s22 =	simm.s32 $0x1BFF;
	s21 =	sshll.u32 s6, $0x1;
	s3 =	sadd.s32 s4, s19  }
0x9c: {  	s7 =	simm.s32 $0x0;
	s20 =	sshll.u32 s5, $0x1;
	s5 =	sadd.s32 s21, s3  }
0x9d: {  	[timem:s7], [sflag:s22] =	dma.local [hbm:s5], s20  }
0x9e: {  	_ =	swait.ge [sflag:s22], s20  }
0x9f: {  	s4 =	ssub.s32 $0x0, s20;
	[sflag:s22] =	ssyncset.done $0x0  }
0xa0: {  	[sflag:s22] =	ssyncadd.s32 s4;
	_ =	sdelay $0x1  }
0xa1: {  	s23 =	simm.s32 $0x1B8B  }
0xa2: {  	_ =	swait.ge [sflag:s23], $0x1  }
0xa3: {  	[sflag:s23] =	ssyncset.done $0x0  }
0xa4: {  	s25 =	simm.s32 $0x1B8E;
	s24 =	sld [smem:$0x3FFE];
	[sflag:s23] =	ssyncadd.s32 $0xFFFFFFFF  }
0xa5: {  	s26 =	simm.s32 $execute0_lowered;
	[smem:$0x3FD2] =	sst s25  }
0xa6: {  	s5 =	sshll.u32 s26, $0x1;
	_ =	strace $0x80000046;
	[dreg:$0x1] =	wrdreg $0xFFFFFFFF  }
0xa7: {  	s28 =	simm.s32 $_size_execute0_lowered;
	s3 =	sadd.s32 s3, s5;
	[dreg:$0x0] =	wrdreg $0x0  }
0xa8: {  	s5 =	sshll.u32 s28, $0x1;
	[dreg:$0x2] =	wrdreg s3  }
0xa9: {  	[dreg:$0x3] =	wrdreg s5  }
0xaa: {  	[dreg:$0x4] =	wrdreg $0xC0  }
0xab: {  	_ =	task [dreg:s7], $0x5FFFF  }
0xac: {  	[dreg:$0x1] =	wrdreg $0xFFFFFFFF  }
0xad: {  	[dreg:$0x0] =	wrdreg $0x60  }
0xae: {  	[dreg:$0x2] =	wrdreg s2  }
0xaf: {  	[dreg:$0x3] =	wrdreg s24  }
0xb0: {  	[dreg:$0x4] =	wrdreg $0xA8000  }
0xb1: {  	[dreg:$0x5] =	wrdreg $0x9  }
0xb2: {  	_ =	task.clear_ibuf [dreg:s7], $0x6FFFF;
	_ =	strace $0x90000046  }
0xb3: {  	s29 =	simm.s32 $0x9;
	_ =	strace $0x80000048  }
0xb4: {  	_ =	swait.ge [sflag:s29], $0x1  }
0xb5: {  	[sflag:s29] =	ssyncadd.s32 $0xFFFFFFFF  }
0xb6: {  	_ =	strace $0x90000048  }
0xb7: {  	_ =	sfence  }
0xb8: {  	s30 =	sld [smem:$0x0];
	_ =	sdelay $0x2  }
0xb9: {  	s31 =	sshll.u32 s1, $0xD;
	s1 =	sshrl.u32 s1, $0x2  }
0xba: {  	s3 =	sand.u32 $0x4000, s31;
	s1 =	sadd.s32 s1, s30  }
0xbb: {  	s0 =	sor.u32 s3, s0;
	s1 =	sshll.u32 s1, $0x11  }
0xbc: {  	s0 =	sor.u32 s1, s0  }
0xbd: {  	s0 =	sadd.s32 $0x8F2B, s0  }
0xbe: {  	[sflag:s0] =	ssyncadd.remote.s32 $0x1  }
0xbf: {  	_ =	sfence.sel $0xFFFF  }
0xc0: {  	[dreg:$0x0] =	wrdreg $0xFFFFFFFF;
	(pc) =	sbr.abs _section_cstart, $3  }
0xc1: {  	[dreg:$0x1] =	wrdreg $0xFFFFFFFF  }
0xc2: {  	_ =	task.clear_ibuf [dreg:s7], $0x2FFFF;
	_ =	strace $0x9FFFFFFF  }
0xc3: {  	(tm) =	ssettm $0x7FFFFFFF  }
tec
execute0_lowered:
.L_overlay_start_1:
0x0: {  	(tag) =	ssettag $0x1  }
0x1: {  	s1 =	rddreg [dreg:$0x0]  }
0x2: {  	s7 =	rddreg [dreg:$0x1]  }
0x3: {  	s3 =	rddreg [dreg:$0x2];
	s4 =	simm.s32 $0x0;
	s0 =	stileid.u32  }
0x4: {  	s6 =	srdreg.scid;
	s20 =	simm.s32 $0x2800;
	s21 =	simm.s32 $0x1  }
0x5: {  	s22 =	simm.s32 $0x80;
	s23 =	simm.s32 $0x2;
	s24 =	simm.s32 $0x6680  }
0x6: {  	s25 =	simm.s32 $0x2780;
	s26 =	simm.s32 $0x0;
	[smem:$0x7FF] =	sst s4  }
0x7: {  	s10 =	smul.u32 $0x13800, s0;
	s11 =	sadd.s32 $0xB200, s7;
	s12 =	sadd.s32 $0x1200, s7  }
0x8: {  	s8 =	sand.u32 $0x1, s6;
	s13 =	smul.u32 $0x4E000, s0;
	s14 =	sadd.s32 $0x3C400, s7  }
0x9: {  	s29 =	sshll.u32 s0, $0x6;
	s18 =	sadd.s32 $0x138000, s3;
	p0 =	sne.s32 s0, $0xF  }
0xa: {  	_ =	strace $0x80000047;
	s6 =	ssub.s32 $0x2, s8;
	s9 =	sshll.u32 s8, $0x4  }
0xb: {  	s17 =	smul.u32 $0x138800, s8;
	s5 =	sshrl.u32 s10, $0x3;
	s15 =	sshrl.u32 s6, $0x1  }
0xc: {  	s9 =	sor.u32 s0, s9;
	s28 =	sshrl.u32 s13, $0x2;
	s5 =	sadd.s32 s5, s7  }
0xd: {  	s15 =	ssub.s32 s6, s15;
	s9 =	smul.u32 $0x2800, s9;
	s16 =	sadd.s32 s28, s3  }
0xe: {  	s6 =	sor.u32 $0x1C03, s29;
	s7 =	sadd.s32 $0x3C200, s7;
	s19 =	sadd.s32 s10, s17  }
0xf: {  	s17 =	sshrl.u32 s17, $0x3;
	s5 =	sadd.s32 $0x15200, s5;
	s19 =	sshrl.u32 s19, $0x3  }
0x10: {  	s31 =	sadd.s32 s14, s17;
	s17 =	sshrl.u32 @!p0 s18, $0x3;
	s30 =	sshrl.u32 s9, $0x3  }
0x11: {  	s18 =	simm.s32 $0x1400;
	s8 =	sadd.s32 s11, s30;
	s13 =	sadd.s32 $0x280, s30  }
0x12: {  	s9 =	sadd.s32 s12, s30;
	s10 =	sadd.s32 s11, s13;
	s11 =	sadd.s32 s12, s13  }
0x13: {  	s12 =	sadd.s32 s14, s19;
	s13 =	sadd.s32 $0x27000, s31;
	s14 =	smax.u32 s15, $0x1  }
0x14: {  	s15 =	sshrl.u32 s16, $0x3;
	s16 =	simm.s32 $0x3;
	s19 =	simm.s32 $0x7D  }
.LBB2_1:
0x15: {  	[spmem:s15], [sflag:s6] =	dma.local [hbm:s5], $0x2700  }
0x16: {  	_ =	swait.ge [sflag:s16], $0x2700  }
0x17: {  	[sflag:s16] =	ssyncset.done $0x0  }
0x18: {  	s28 =	simm.s32 @!p0 $0x3;
	[sflag:s16] =	ssyncadd.s32 $0xFFFFD900  }
0x19: {  	[spmem:s17], [sflag:s6] =	dma.local @!p0 [hbm:s7], $0x100  }
0x1a: {  	_ =	swait.ge @!p0 [sflag:s28], $0x100  }
0x1b: {  	[sflag:s28] =	ssyncset.done @!p0 $0x0  }
0x1c: {  	[sflag:s28] =	ssyncadd.s32 @!p0 $0xFFFFFF00  }
0x1d: {  	[bflag:$0x0] =	sbarrier.arrive $0xFFFF  }
0x1e: {  	[tilespmem:s4], [sflag:$0x3] =	stream.linear.gather [hbm4b:s8+s4], $0x1400, $0x38;
	[tilespmem:$0x1E080] =	vst v63  }
0x1f: {  	_ =	swait.ge [sflag:s16], $0x1400  }
0x20: {  	[sflag:s16] =	ssyncset.done $0x0  }
0x21: {  	[sflag:s16] =	ssyncadd.s32 $0xFFFFEC00  }
0x22: {  	[tilespmem:s18], [sflag:$0x3] =	stream.linear.gather [hbm4b:s9+s4], $0x1400, $0x38;
	[tilespmem:$0x1E080] =	vst v63  }
0x23: {  	_ =	swait.ge [sflag:s16], $0x1400  }
0x24: {  	[sflag:s16] =	ssyncset.done $0x0  }
0x25: {  	[sflag:s16] =	ssyncadd.s32 $0xFFFFEC00  }
0x26: {  	[tilespmem:s20], [sflag:$0x1] =	stream.indirect.gather [hbm4b:s1+s19], $0x80, s4, s19, $0xb8;
	[tilespmem:$0x1E080] =	vst v63  }
0x27: {  	_ =	swait.ge [sflag:s21], $0x3E80  }
0x28: {  	[sflag:s21] =	ssyncset.done $0x0  }
0x29: {  	[sflag:s21] =	ssyncadd.s32 $0xFFFFC180  }
0x2a: {  	[tilespmem:s24], [sflag:$0x1] =	stream.indirect.gather [hbm4b:s1+s19], $0x80, s22, s19, $0xb8;
	[tilespmem:$0x1E080] =	vst v63  }
0x2b: {  	_ = 	snop  }
0x2c: {  	[spmem:s3] =	stream.indirect.scatter.add.f32 [tilespmem:s20], [sflag:$0x2], $0x80, s18, s19, $0xb8;
	[tilespmem:$0x1E080] =	vst v63  }
0x2d: {  	_ =	swait.ge [sflag:s21], $0x3E80  }
0x2e: {  	[sflag:s21] =	ssyncset.done $0x0  }
0x2f: {  	[sflag:s21] =	ssyncadd.s32 $0xFFFFC180  }
0x30: {  	s28 =	sand.u32 $0x1, s23;
	_ =	swait.ge [sflag:s23], $0x3E80  }
0x31: {  	s31 =	simm.s32 $0x6680;
	p1 =	seq.s32 s28, $0x1;
	[sflag:s23] =	ssyncset.done $0x0  }
0x32: {  	s28 =	simm.s32 $0x100;
	s31 =	simm.s32 @!p1 $0x2800;
	[sflag:s23] =	ssyncadd.s32 $0xFFFFC180  }
0x33: {  	[tilespmem:s31], [sflag:$0x1] =	stream.indirect.gather [hbm4b:s1+s19], $0x80, s28, s19, $0xb8;
	[tilespmem:$0x1E080] =	vst v63  }
0x34: {  	s29 =	simm.s32 $0x1480  }
0x35: {  	[spmem:s3] =	stream.indirect.scatter.add.f32 [tilespmem:s24], [sflag:$0x2], $0x80, s29, s19, $0xb8;
	[tilespmem:$0x1E080] =	vst v63  }
0x36: {  	_ =	swait.ge [sflag:s21], $0x3E80  }
0x37: {  	s30 =	simm.s32 $0x3;
	[sflag:s21] =	ssyncset.done $0x0  }
.LBB2_2:
0x38: {  	[sflag:s21] =	ssyncadd.s32 $0xFFFFC180;
	s29 =	sadd.s32 $0x80, s29  }
0x39: {  	s28 =	sadd.s32 $0x80, s28;
	s0 =	smov.u32 s30;
	s2 =	smov.u32 s31  }
0x3a: {  	p1 =	sne.s32 s30, $0x27;
	s30 =	sadd.s32 $0x1, s30;
	_ =	swait.ge [sflag:s23], $0x3E80  }
0x3b: {  	s0 =	sand.u32 $0x1, s0;
	[sflag:s23] =	ssyncset.done $0x0  }
0x3c: {  	s31 =	simm.s32 $0x6680;
	p2 =	seq.s32 s0, $0x1;
	[sflag:s23] =	ssyncadd.s32 $0xFFFFC180  }
0x3d: {  	s31 =	simm.s32 @!p2 $0x2800  }
0x3e: {  	[tilespmem:s31], [sflag:$0x1] =	stream.indirect.gather [hbm4b:s1+s19], $0x80, s28, s19, $0xb8;
	[tilespmem:$0x1E080] =	vst v63  }
.Ltmp0:
0x3f: {  	_ = 	snop;
	(pc) =	sbr.rel @p1 .LBB2_2-.Ltmp0, $4  }
0x40: {  	_ = 	snop  }
0x41: {  	[spmem:s3] =	stream.indirect.scatter.add.f32 [tilespmem:s2], [sflag:$0x2], $0x80, s29, s19, $0xb8;
	[tilespmem:$0x1E080] =	vst v63  }
0x42: {  	_ =	swait.ge [sflag:s21], $0x3E80  }
0x43: {  	[sflag:s21] =	ssyncset.done $0x0  }
0x44: {  	[sflag:s21] =	ssyncadd.s32 $0xFFFFC180;
	s0 =	simm.s32 $0x2  }
0x45: {  	[spmem:s3] =	stream.indirect.scatter.add.f32 [tilespmem:s31], [sflag:$0x2], $0x80, s25, s19, $0xb8;
	[tilespmem:$0x1E080] =	vst v63  }
0x46: {  	_ =	swait.ge [sflag:s0], $0x3E80  }
0x47: {  	[sflag:s0] =	ssyncset.done $0x0  }
0x48: {  	[sflag:s0] =	ssyncadd.s32 $0xFFFFC180  }
0x49: {  	_ =	swait.ge [sflag:s0], $0x3E80  }
0x4a: {  	[sflag:s0] =	ssyncset.done $0x0  }
0x4b: {  	[sflag:s0] =	ssyncadd.s32 $0xFFFFC180  }
0x4c: {  	[tilespmem:s4], [sflag:$0x3] =	stream.linear.gather [hbm4b:s10+s4], $0x1400, $0x38;
	[tilespmem:$0x1E080] =	vst v63  }
0x4d: {  	_ =	swait.ge [sflag:s16], $0x1400  }
0x4e: {  	[sflag:s16] =	ssyncset.done $0x0  }
0x4f: {  	[sflag:s16] =	ssyncadd.s32 $0xFFFFEC00  }
0x50: {  	[tilespmem:s18], [sflag:$0x3] =	stream.linear.gather [hbm4b:s11+s4], $0x1400, $0x38;
	[tilespmem:$0x1E080] =	vst v63  }
0x51: {  	_ =	swait.ge [sflag:s16], $0x1400  }
0x52: {  	[sflag:s16] =	ssyncset.done $0x0  }
0x53: {  	[sflag:s16] =	ssyncadd.s32 $0xFFFFEC00  }
0x54: {  	[tilespmem:s20], [sflag:$0x1] =	stream.indirect.gather [hbm4b:s1+s19], $0x80, s4, s19, $0xb8;
	[tilespmem:$0x1E080] =	vst v63  }
0x55: {  	_ =	swait.ge [sflag:s21], $0x3E80  }
0x56: {  	[sflag:s21] =	ssyncset.done $0x0  }
0x57: {  	s2 =	simm.s32 $0x6680;
	[sflag:s21] =	ssyncadd.s32 $0xFFFFC180  }
0x58: {  	[tilespmem:s2], [sflag:$0x1] =	stream.indirect.gather [hbm4b:s1+s19], $0x80, s22, s19, $0xb8;
	[tilespmem:$0x1E080] =	vst v63  }
0x59: {  	_ = 	snop  }
0x5a: {  	[spmem:s3] =	stream.indirect.scatter.add.f32 [tilespmem:s20], [sflag:$0x2], $0x80, s18, s19, $0xb8;
	[tilespmem:$0x1E080] =	vst v63  }
0x5b: {  	_ =	swait.ge [sflag:s21], $0x3E80  }
0x5c: {  	[sflag:s21] =	ssyncset.done $0x0  }
0x5d: {  	[sflag:s21] =	ssyncadd.s32 $0xFFFFC180  }
0x5e: {  	s0 =	sand.u32 $0x1, s0;
	_ =	swait.ge [sflag:s23], $0x3E80  }
0x5f: {  	s31 =	simm.s32 $0x6680;
	p1 =	seq.s32 s0, $0x1;
	[sflag:s23] =	ssyncset.done $0x0  }
0x60: {  	s28 =	simm.s32 $0x100;
	s31 =	simm.s32 @!p1 $0x2800;
	[sflag:s23] =	ssyncadd.s32 $0xFFFFC180  }
0x61: {  	[tilespmem:s31], [sflag:$0x1] =	stream.indirect.gather [hbm4b:s1+s19], $0x80, s28, s19, $0xb8;
	[tilespmem:$0x1E080] =	vst v63  }
0x62: {  	s29 =	simm.s32 $0x1480  }
0x63: {  	[spmem:s3] =	stream.indirect.scatter.add.f32 [tilespmem:s2], [sflag:$0x2], $0x80, s29, s19, $0xb8;
	[tilespmem:$0x1E080] =	vst v63  }
0x64: {  	_ =	swait.ge [sflag:s21], $0x3E80  }
0x65: {  	s30 =	simm.s32 $0x3;
	[sflag:s21] =	ssyncset.done $0x0  }
.LBB2_4:
0x66: {  	[sflag:s21] =	ssyncadd.s32 $0xFFFFC180;
	s29 =	sadd.s32 $0x80, s29  }
0x67: {  	s28 =	sadd.s32 $0x80, s28;
	s0 =	smov.u32 s30;
	s2 =	smov.u32 s31  }
0x68: {  	p1 =	sne.s32 s30, $0x27;
	s30 =	sadd.s32 $0x1, s30;
	_ =	swait.ge [sflag:s23], $0x3E80  }
0x69: {  	s0 =	sand.u32 $0x1, s0;
	[sflag:s23] =	ssyncset.done $0x0  }
0x6a: {  	s31 =	simm.s32 $0x6680;
	p2 =	seq.s32 s0, $0x1;
	[sflag:s23] =	ssyncadd.s32 $0xFFFFC180  }
0x6b: {  	s31 =	simm.s32 @!p2 $0x2800  }
0x6c: {  	[tilespmem:s31], [sflag:$0x1] =	stream.indirect.gather [hbm4b:s1+s19], $0x80, s28, s19, $0xb8;
	[tilespmem:$0x1E080] =	vst v63  }
.Ltmp1:
0x6d: {  	_ = 	snop;
	(pc) =	sbr.rel @p1 .LBB2_4-.Ltmp1, $4  }
0x6e: {  	_ = 	snop  }
0x6f: {  	[spmem:s3] =	stream.indirect.scatter.add.f32 [tilespmem:s2], [sflag:$0x2], $0x80, s29, s19, $0xb8;
	[tilespmem:$0x1E080] =	vst v63  }
0x70: {  	_ =	swait.ge [sflag:s21], $0x3E80  }
0x71: {  	[sflag:s21] =	ssyncset.done $0x0  }
0x72: {  	[sflag:s21] =	ssyncadd.s32 $0xFFFFC180  }
0x73: {  	[spmem:s3] =	stream.indirect.scatter.add.f32 [tilespmem:s31], [sflag:$0x2], $0x80, s25, s19, $0xb8;
	[tilespmem:$0x1E080] =	vst v63  }
0x74: {  	_ =	swait.ge [sflag:s23], $0x3E80  }
0x75: {  	[sflag:s23] =	ssyncset.done $0x0  }
0x76: {  	[sflag:s23] =	ssyncadd.s32 $0xFFFFC180  }
0x77: {  	_ =	swait.ge [sflag:s23], $0x3E80  }
0x78: {  	[sflag:s23] =	ssyncset.done $0x0  }
0x79: {  	[sflag:s23] =	ssyncadd.s32 $0xFFFFC180  }
0x7a: {  	[bflag:$0x0] =	sbarrier.arrive $0xFFFF  }
0x7b: {  	[hbm:s12], [sflag:s6] =	dma.local [spmem:s15], $0x2700  }
0x7c: {  	s26 =	sadd.s32 $0x1, s26;
	_ =	swait.ge [sflag:s16], $0x2700  }
0x7d: {  	p1 =	sne.s32 s26, s14;
	[sflag:s16] =	ssyncset.done $0x0  }
.Ltmp2:
0x7e: {  	s0 =	simm.s32 @!p0 $0x3;
	[sflag:s16] =	ssyncadd.s32 $0xFFFFD900;
	(pc) =	sbr.rel @p1 .LBB2_1-.Ltmp2, $4  }
0x7f: {  	[hbm:s13], [sflag:s6] =	dma.local @!p0 [spmem:s17], $0x100  }
0x80: {  	_ =	swait.ge @!p0 [sflag:s0], $0x100  }
0x81: {  	[sflag:s0] =	ssyncset.done @!p0 $0x0  }
0x82: {  	[sflag:s0] =	ssyncadd.s32 @!p0 $0xFFFFFF00  }
0x83: {  	_ =	sfence.sel $0x180000  }
0x84: {  	[bflag:$0x0] =	sbarrier.arrive $0xFFFF  }
0x85: {  	_ =	strace $0x90000047  }
0x86: {  	s0 =	stileid.u32;
	[bflag:$0x2] =	sbarrier.arrive $0xFFFF  }
0x87: {  	p0 =	sne.s32 s0, $0x0;
	s0 =	rddreg [dreg:$0x3]  }
0x88: {  	s0 =	sadd.s32 @!p0 $0x100000, s0  }
0x89: {  	[sflag:s0] =	ssyncadd.tile.s32 @!p0 $0x1;
	_ =	shalt  }
.Lfunc_end2:
_tile_overlayer_lowered:
.L_overlay_start_2:
0x8a: {  	(tag) =	ssettag $0x2  }
0x8b: {  	s0 =	rddreg [dreg:$0x0];
	s2 =	stileid.u32  }
0x8c: {  	s1 =	rddreg [dreg:$0x1];
	p0 =	sne.s32 s2, $0x0  }
0x8d: {  	s3 =	rddreg [dreg:$0x2];
	[bflag:$0x3] =	sbarrier.arrive $0xFFFF;
	s2 =	simm.s32 @!p0 $0x1C03  }
0x8e: {  	[timem:s3], [sflag:s2] =	dma.local @!p0 [hbm:s0], s1  }
0x8f: {  	s0 =	simm.s32 @!p0 $0x3  }
0x90: {  	_ =	swait.ge @!p0 [sflag:s0], s1  }
0x91: {  	s1 =	ssub.s32 @!p0 $0x0, s1;
	[sflag:s0] =	ssyncset.done @!p0 $0x0  }
0x92: {  	[sflag:s0] =	ssyncadd.s32 @!p0 s1  }
0x93: {  	[bflag:$0x3] =	sbarrier.arrive $0xFFFF  }
0x94: {  	_ =	shalt  }

</sc_bundles>
